<compile_context>
chip_gen: v7x
topology: tpu7x:2x2x1
jax: 0.10.2.dev20260603
libtpu: 0.0.44.dev20260713+nightly
codegen_flags: <defaults>
</compile_context>

<pallas_src>
import functools

import jax
import jax.numpy as jnp
import numpy as np
from jax import lax
from jax.experimental import pallas as pl
from jax.experimental.pallas import tpu as pltpu
from jax.experimental.pallas import tpu_sc as plsc

VOCAB = 26
SEQ = 200
DM = 64
EPS = 1e-5
ROWS = 16384
TOTAL = ROWS * SEQ
NPAIR = TOTAL // 2
JP = SEQ // 2
COMBO = VOCAB * VOCAB

NC = 2
NS = 16
NW = NC * NS

CHUNK = 128
CPW = NPAIR // (NW * CHUNK)
GRP = 8
BR = 1024

_W = np.zeros((SEQ, JP), np.float32)
for _k in range(JP):
    _W[2 * _k, _k] = float(VOCAB)
    _W[2 * _k + 1, _k] = 1.0
_W.setflags(write=False)


def _fused_body(tok_ref, pos_ref, g_ref, b_ref, tab_ref):
    emb = pos_ref[:SEQ][:, None, :] + tok_ref[...][None, :, :]
    mean = jnp.mean(emb, axis=-1, keepdims=True)
    cent = emb - mean
    var = jnp.mean(cent * cent, axis=-1, keepdims=True)
    normed = cent * lax.rsqrt(var + EPS)
    tab_ref[...] = normed * g_ref[...][None] + b_ref[...][None]


def _fused_table(tok, pos, gamma, beta):
    return pl.pallas_call(
        _fused_body,
        out_shape=jax.ShapeDtypeStruct((SEQ, VOCAB, DM), jnp.float32),
    )(tok, pos, gamma, beta)


def _pair_body(f_ref, p_ref):
    left = f_ref[0][:, None, :]
    right = f_ref[1][None, :, :]
    left = jnp.broadcast_to(left, (VOCAB, VOCAB, DM))
    right = jnp.broadcast_to(right, (VOCAB, VOCAB, DM))
    p_ref[...] = jnp.concatenate([left, right], axis=-1)[None]


def _pair_table(fused):
    return pl.pallas_call(
        _pair_body,
        grid=(JP,),
        in_specs=[pl.BlockSpec((2, VOCAB, DM), lambda jp: (jp, 0, 0))],
        out_specs=pl.BlockSpec((1, VOCAB, VOCAB, 2 * DM), lambda jp: (jp, 0, 0, 0)),
        out_shape=jax.ShapeDtypeStruct((JP, VOCAB, VOCAB, 2 * DM), jnp.float32),
    )(fused)


def _idx_body(x_ref, w_ref, idx_ref):
    xf = x_ref[...].astype(jnp.float32)
    packed = jnp.dot(xf, w_ref[...], preferred_element_type=jnp.float32)
    jpos = lax.broadcasted_iota(jnp.int32, (BR, JP), 1)
    idx_ref[...] = packed.astype(jnp.int32) + jpos * COMBO


def _pair_idx(x, w):
    return pl.pallas_call(
        _idx_body,
        grid=(ROWS // BR,),
        in_specs=[
            pl.BlockSpec((BR, SEQ), lambda i: (i, 0)),
            pl.BlockSpec((SEQ, JP), lambda i: (0, 0)),
        ],
        out_specs=pl.BlockSpec((BR, JP), lambda i: (i, 0)),
        out_shape=jax.ShapeDtypeStruct((ROWS, JP), jnp.int32),
    )(x, w)


_MESH = plsc.VectorSubcoreMesh(
    core_axis_name="c", subcore_axis_name="s", num_cores=NC, num_subcores=NS
)


@functools.partial(
    pl.kernel,
    out_type=jax.ShapeDtypeStruct((NPAIR, 2 * DM), jnp.float32),
    mesh=_MESH,
    scratch_types=[
        pltpu.VMEM((GRP, CHUNK), jnp.int32),
        pltpu.VMEM((CHUNK, 2 * DM), jnp.float32),
        pltpu.VMEM((CHUNK, 2 * DM), jnp.float32),
        pltpu.SemaphoreType.DMA,
        pltpu.SemaphoreType.DMA,
    ],
)
def _gather(idx_hbm, tab_hbm, out_hbm, idxv, rows0, rows1, sem0, sem1):
    wid = lax.axis_index("s") * NC + lax.axis_index("c")
    base = wid * CPW

    bufs = [(rows0, sem0), (rows1, sem1)]

    def group(g, carry):
        row0 = base + g * GRP
        pltpu.sync_copy(idx_hbm.at[pl.ds(row0, GRP)], idxv)
        handles = [None] * GRP
        handles[0] = pltpu.async_copy(tab_hbm.at[idxv.at[0]], rows0, sem0)
        for s in range(GRP):
            cur_rows, _ = bufs[s % 2]
            if s + 1 < GRP:
                nxt_rows, nxt_sem = bufs[(s + 1) % 2]
                handles[s + 1] = pltpu.async_copy(
                    tab_hbm.at[idxv.at[s + 1]], nxt_rows, nxt_sem
                )
            handles[s].wait()
            pltpu.sync_copy(cur_rows, out_hbm.at[pl.ds((row0 + s) * CHUNK, CHUNK)])
        return carry

    lax.fori_loop(0, CPW // GRP, group, 0)


def kernel(x, tok_table, pos_table, gamma, beta):
    x = x.astype(jnp.int32)
    fused = _fused_table(
        tok_table, pos_table, gamma.reshape(1, DM), beta.reshape(1, DM)
    )
    ptab = _pair_table(fused)
    pidx = _pair_idx(x, jnp.asarray(_W))
    out2 = _gather(
        pidx.reshape(NPAIR // CHUNK, CHUNK),
        ptab.reshape(JP * COMBO, 2 * DM),
    )
    return out2.reshape(ROWS, SEQ, DM)

# --- scband reference (transcript-rebuilt; emitter-appended) ---
"""Pipeline reference for scband-embedding-79242146611862 (READ-ONLY COPY).

The authoritative reference and input builder live on the scoring server;
editing this copy changes nothing except your own understanding.
"""

import jax, jax.numpy as jnp
import numpy as np

VOCAB = 26
MAX_LEN = 300
D_MODEL = 64
EPS = 1e-5

def setup_inputs(seed: int = 0) -> dict:
    key = jax.random.key(seed)
    k1, k2, k3 = jax.random.split(key, 3)
    x = jax.random.randint(k1, (16384, 200), 0, VOCAB, dtype=jnp.int64 if jax.config.jax_enable_x64 else jnp.int32)
    tok_table = jax.random.normal(k2, (VOCAB, D_MODEL), dtype=jnp.float32)
    pos_table = jax.random.normal(k3, (MAX_LEN, D_MODEL), dtype=jnp.float32)
    gamma = jnp.ones((D_MODEL,), dtype=jnp.float32)
    beta = jnp.zeros((D_MODEL,), dtype=jnp.float32)
    return {"x": x, "tok_table": tok_table, "pos_table": pos_table, "gamma": gamma, "beta": beta}

def reference(x, tok_table, pos_table, gamma, beta):
    seq_len = x.shape[1]
    pos = jnp.arange(seq_len, dtype=x.dtype)
    pos = jnp.broadcast_to(pos[None, :], x.shape)
    emb = jnp.take(tok_table, x, axis=0) + jnp.take(pos_table, pos, axis=0)
    mean = jnp.mean(emb, axis=-1, keepdims=True)
    var = jnp.var(emb, axis=-1, keepdims=True)
    normed = (emb - mean) / jnp.sqrt(var + EPS)
    return normed * gamma + beta

if __name__ == "__main__":
    import jax
    _d = setup_inputs()
    print(jax.jit(kernel)(*tuple(_d.values())))

</pallas_src>

<mosaic_0001>
#map = affine_map<(d0, d1) -> (0, 0)>
module attributes {stable_mosaic.version = 14 : i64} {
  func.func @_gather(%arg0: i32, %arg1: i32, %arg2: memref<12800x128xi32, #tpu.memory_space<hbm>>, %arg3: memref<67600x128xf32, #tpu.memory_space<hbm>>, %arg4: memref<1638400x128xf32, #tpu.memory_space<hbm>>, %arg5: memref<8x128xi32, #tpu.memory_space<vmem>>, %arg6: memref<128x128xf32, #tpu.memory_space<vmem>>, %arg7: memref<128x128xf32, #tpu.memory_space<vmem>>, %arg8: memref<!tpu.dma_semaphore, #tpu.memory_space<semaphore_mem>>, %arg9: memref<!tpu.dma_semaphore, #tpu.memory_space<semaphore_mem>>) attributes {dimension_semantics = [#tpu.dimension_semantics<core_parallel>, #tpu.dimension_semantics<subcore_parallel>], iteration_bounds = array<i64: 2, 16>, scalar_prefetch = 0 : i64, scratch_operands = 5 : i64, tpu.core_type = #tpu.core_type<sc_vector_subcore>, window_params = [{transform_indices = #map}, {transform_indices = #map}, {transform_indices = #map}]} {
    %mul3A = arith.constant 2 : i32
    %mul3A_0 = arith.muli %arg1, %mul3A : i32
    %add3A = arith.addi %mul3A_0, %arg0 : i32
    %mul3A_1 = arith.constant 400 : i32
    %mul3A_2 = arith.muli %add3A, %mul3A_1 : i32
    %scan3A = arith.constant 0 : i32
    %scan3A_3 = arith.constant 0 : i32
    %scan3A_4 = arith.constant 50 : i32
    %scan3A_5 = arith.addi %scan3A_3, %scan3A_4 : i32
    %scan3A_6 = arith.constant 1 : i32
    scf.for %scan3A_8 = %scan3A_3 to %scan3A_5 step %scan3A_6  : i32 {
      %mul3A_9 = arith.constant 8 : i32
      %mul3A_10 = arith.muli %scan3A_8, %mul3A_9 : i32
      %add3A_11 = arith.addi %mul3A_2, %mul3A_10 : i32
      "tpu.region"() ({
        %run_scoped3A = tpu.sem_alloc : memref<!tpu.dma_semaphore, #tpu.memory_space<semaphore_mem>>
        %dma_start3A_154 = arith.constant 0 : i32
        %dma_start3A_155 = tpu.memref_slice %arg2[%add3A_11, %dma_start3A_154] : memref<12800x128xi32, #tpu.memory_space<hbm>> -> memref<8x128xi32, #tpu.memory_space<hbm>>
        %dma_start3A_156 = arith.constant 0 : i32
        %dma_start3A_157 = tpu.memref_slice %arg2[%add3A_11, %dma_start3A_156] : memref<12800x128xi32, #tpu.memory_space<hbm>> -> memref<8x128xi32, #tpu.memory_space<hbm>>
        tpu.enqueue_dma source(%dma_start3A_157 : memref<8x128xi32, #tpu.memory_space<hbm>>) target(%arg5 : memref<8x128xi32, #tpu.memory_space<vmem>>) target_semaphore(%run_scoped3A : memref<!tpu.dma_semaphore, #tpu.memory_space<semaphore_mem>>)
        %dma_wait3A_158 = arith.constant 0 : i32
        %dma_wait3A_159 = tpu.memref_slice %arg2[%add3A_11, %dma_wait3A_158] : memref<12800x128xi32, #tpu.memory_space<hbm>> -> memref<8x128xi32, #tpu.memory_space<hbm>>
        %dma_wait3A_160 = arith.constant 0 : i32
        %dma_wait3A_161 = tpu.memref_slice %arg2[%add3A_11, %dma_wait3A_160] : memref<12800x128xi32, #tpu.memory_space<hbm>> -> memref<8x128xi32, #tpu.memory_space<hbm>>
        tpu.wait_dma2 semaphore(%run_scoped3A : memref<!tpu.dma_semaphore, #tpu.memory_space<semaphore_mem>>) src(%dma_wait3A_161 : memref<8x128xi32, #tpu.memory_space<hbm>>) dst(%arg5 : memref<8x128xi32, #tpu.memory_space<vmem>>)
        tpu.yield
      }) : () -> ()
      %dma_start3A = arith.constant 0 : i32
      %dma_start3A_12 = arith.constant 0 : i32
      %dma_start3A_13 = tpu.memref_slice %arg5[%dma_start3A, %dma_start3A_12] : memref<8x128xi32, #tpu.memory_space<vmem>> -> memref<1x128xi32, #tpu.memory_space<vmem>>
      %dma_start3A_14 = tpu.memref_squeeze %dma_start3A_13 : memref<1x128xi32, #tpu.memory_space<vmem>> -> memref<128xi32, #tpu.memory_space<vmem>>
      %dma_start3A_15 = arith.constant 0 : i32
      %dma_start3A_16 = arith.constant 0 : i32
      %dma_start3A_17 = tpu.memref_slice %arg3[%dma_start3A_15, %dma_start3A_16] : memref<67600x128xf32, #tpu.memory_space<hbm>> -> memref<67600x128xf32, #tpu.memory_space<hbm>>
      tpu.enqueue_indirect_dma source(%dma_start3A_17 : memref<67600x128xf32, #tpu.memory_space<hbm>>) target(%arg6 : memref<128x128xf32, #tpu.memory_space<vmem>>) offsets(%dma_start3A_14 : memref<128xi32, #tpu.memory_space<vmem>>) semaphore(%arg8 : memref<!tpu.dma_semaphore, #tpu.memory_space<semaphore_mem>>)
      %dma_start3A_18 = arith.constant 1 : i32
      %dma_start3A_19 = arith.constant 0 : i32
      %dma_start3A_20 = tpu.memref_slice %arg5[%dma_start3A_18, %dma_start3A_19] : memref<8x128xi32, #tpu.memory_space<vmem>> -> memref<1x128xi32, #tpu.memory_space<vmem>>
      %dma_start3A_21 = tpu.memref_squeeze %dma_start3A_20 : memref<1x128xi32, #tpu.memory_space<vmem>> -> memref<128xi32, #tpu.memory_space<vmem>>
      %dma_start3A_22 = arith.constant 0 : i32
      %dma_start3A_23 = arith.constant 0 : i32
      %dma_start3A_24 = tpu.memref_slice %arg3[%dma_start3A_22, %dma_start3A_23] : memref<67600x128xf32, #tpu.memory_space<hbm>> -> memref<67600x128xf32, #tpu.memory_space<hbm>>
      tpu.enqueue_indirect_dma source(%dma_start3A_24 : memref<67600x128xf32, #tpu.memory_space<hbm>>) target(%arg7 : memref<128x128xf32, #tpu.memory_space<vmem>>) offsets(%dma_start3A_21 : memref<128xi32, #tpu.memory_space<vmem>>) semaphore(%arg9 : memref<!tpu.dma_semaphore, #tpu.memory_space<semaphore_mem>>)
      %dma_wait3A = arith.constant 0 : i32
      %dma_wait3A_25 = arith.constant 0 : i32
      %dma_wait3A_26 = tpu.memref_slice %arg5[%dma_wait3A, %dma_wait3A_25] : memref<8x128xi32, #tpu.memory_space<vmem>> -> memref<1x128xi32, #tpu.memory_space<vmem>>
      %dma_wait3A_27 = tpu.memref_squeeze %dma_wait3A_26 : memref<1x128xi32, #tpu.memory_space<vmem>> -> memref<128xi32, #tpu.memory_space<vmem>>
      %dma_wait3A_28 = arith.constant 0 : i32
      %dma_wait3A_29 = arith.constant 0 : i32
      %dma_wait3A_30 = tpu.memref_slice %arg3[%dma_wait3A_28, %dma_wait3A_29] : memref<67600x128xf32, #tpu.memory_space<hbm>> -> memref<67600x128xf32, #tpu.memory_space<hbm>>
      tpu.wait_indirect_dma semaphore(%arg8 : memref<!tpu.dma_semaphore, #tpu.memory_space<semaphore_mem>>) src(%dma_wait3A_30 : memref<67600x128xf32, #tpu.memory_space<hbm>>) dst(%arg6 : memref<128x128xf32, #tpu.memory_space<vmem>>)
      %add3A_31 = arith.constant 0 : i32
      %add3A_32 = arith.addi %add3A_11, %add3A_31 : i32
      %mul3A_33 = arith.constant 128 : i32
      %mul3A_34 = arith.muli %add3A_32, %mul3A_33 : i32
      "tpu.region"() ({
        %run_scoped3A = tpu.sem_alloc : memref<!tpu.dma_semaphore, #tpu.memory_space<semaphore_mem>>
        %dma_start3A_154 = arith.constant 0 : i32
        %dma_start3A_155 = tpu.memref_slice %arg4[%mul3A_34, %dma_start3A_154] : memref<1638400x128xf32, #tpu.memory_space<hbm>> -> memref<128x128xf32, #tpu.memory_space<hbm>>
        %dma_start3A_156 = arith.constant 0 : i32
        %dma_start3A_157 = tpu.memref_slice %arg4[%mul3A_34, %dma_start3A_156] : memref<1638400x128xf32, #tpu.memory_space<hbm>> -> memref<128x128xf32, #tpu.memory_space<hbm>>
        tpu.enqueue_dma source(%arg6 : memref<128x128xf32, #tpu.memory_space<vmem>>) target(%dma_start3A_157 : memref<128x128xf32, #tpu.memory_space<hbm>>) target_semaphore(%run_scoped3A : memref<!tpu.dma_semaphore, #tpu.memory_space<semaphore_mem>>)
        %dma_wait3A_158 = arith.constant 0 : i32
        %dma_wait3A_159 = tpu.memref_slice %arg4[%mul3A_34, %dma_wait3A_158] : memref<1638400x128xf32, #tpu.memory_space<hbm>> -> memref<128x128xf32, #tpu.memory_space<hbm>>
        %dma_wait3A_160 = arith.constant 0 : i32
        %dma_wait3A_161 = tpu.memref_slice %arg4[%mul3A_34, %dma_wait3A_160] : memref<1638400x128xf32, #tpu.memory_space<hbm>> -> memref<128x128xf32, #tpu.memory_space<hbm>>
        tpu.wait_dma2 semaphore(%run_scoped3A : memref<!tpu.dma_semaphore, #tpu.memory_space<semaphore_mem>>) src(%arg6 : memref<128x128xf32, #tpu.memory_space<vmem>>) dst(%dma_wait3A_161 : memref<128x128xf32, #tpu.memory_space<hbm>>)
        tpu.yield
      }) : () -> ()
      %dma_start3A_35 = arith.constant 2 : i32
      %dma_start3A_36 = arith.constant 0 : i32
      %dma_start3A_37 = tpu.memref_slice %arg5[%dma_start3A_35, %dma_start3A_36] : memref<8x128xi32, #tpu.memory_space<vmem>> -> memref<1x128xi32, #tpu.memory_space<vmem>>
      %dma_start3A_38 = tpu.memref_squeeze %dma_start3A_37 : memref<1x128xi32, #tpu.memory_space<vmem>> -> memref<128xi32, #tpu.memory_space<vmem>>
      %dma_start3A_39 = arith.constant 0 : i32
      %dma_start3A_40 = arith.constant 0 : i32
      %dma_start3A_41 = tpu.memref_slice %arg3[%dma_start3A_39, %dma_start3A_40] : memref<67600x128xf32, #tpu.memory_space<hbm>> -> memref<67600x128xf32, #tpu.memory_space<hbm>>
      tpu.enqueue_indirect_dma source(%dma_start3A_41 : memref<67600x128xf32, #tpu.memory_space<hbm>>) target(%arg6 : memref<128x128xf32, #tpu.memory_space<vmem>>) offsets(%dma_start3A_38 : memref<128xi32, #tpu.memory_space<vmem>>) semaphore(%arg8 : memref<!tpu.dma_semaphore, #tpu.memory_space<semaphore_mem>>)
      %dma_wait3A_42 = arith.constant 1 : i32
      %dma_wait3A_43 = arith.constant 0 : i32
      %dma_wait3A_44 = tpu.memref_slice %arg5[%dma_wait3A_42, %dma_wait3A_43] : memref<8x128xi32, #tpu.memory_space<vmem>> -> memref<1x128xi32, #tpu.memory_space<vmem>>
      %dma_wait3A_45 = tpu.memref_squeeze %dma_wait3A_44 : memref<1x128xi32, #tpu.memory_space<vmem>> -> memref<128xi32, #tpu.memory_space<vmem>>
      %dma_wait3A_46 = arith.constant 0 : i32
      %dma_wait3A_47 = arith.constant 0 : i32
      %dma_wait3A_48 = tpu.memref_slice %arg3[%dma_wait3A_46, %dma_wait3A_47] : memref<67600x128xf32, #tpu.memory_space<hbm>> -> memref<67600x128xf32, #tpu.memory_space<hbm>>
      tpu.wait_indirect_dma semaphore(%arg9 : memref<!tpu.dma_semaphore, #tpu.memory_space<semaphore_mem>>) src(%dma_wait3A_48 : memref<67600x128xf32, #tpu.memory_space<hbm>>) dst(%arg7 : memref<128x128xf32, #tpu.memory_space<vmem>>)
      %add3A_49 = arith.constant 1 : i32
      %add3A_50 = arith.addi %add3A_11, %add3A_49 : i32
      %mul3A_51 = arith.constant 128 : i32
      %mul3A_52 = arith.muli %add3A_50, %mul3A_51 : i32
      "tpu.region"() ({
        %run_scoped3A = tpu.sem_alloc : memref<!tpu.dma_semaphore, #tpu.memory_space<semaphore_mem>>
        %dma_start3A_154 = arith.constant 0 : i32
        %dma_start3A_155 = tpu.memref_slice %arg4[%mul3A_52, %dma_start3A_154] : memref<1638400x128xf32, #tpu.memory_space<hbm>> -> memref<128x128xf32, #tpu.memory_space<hbm>>
        %dma_start3A_156 = arith.constant 0 : i32
        %dma_start3A_157 = tpu.memref_slice %arg4[%mul3A_52, %dma_start3A_156] : memref<1638400x128xf32, #tpu.memory_space<hbm>> -> memref<128x128xf32, #tpu.memory_space<hbm>>
        tpu.enqueue_dma source(%arg7 : memref<128x128xf32, #tpu.memory_space<vmem>>) target(%dma_start3A_157 : memref<128x128xf32, #tpu.memory_space<hbm>>) target_semaphore(%run_scoped3A : memref<!tpu.dma_semaphore, #tpu.memory_space<semaphore_mem>>)
        %dma_wait3A_158 = arith.constant 0 : i32
        %dma_wait3A_159 = tpu.memref_slice %arg4[%mul3A_52, %dma_wait3A_158] : memref<1638400x128xf32, #tpu.memory_space<hbm>> -> memref<128x128xf32, #tpu.memory_space<hbm>>
        %dma_wait3A_160 = arith.constant 0 : i32
        %dma_wait3A_161 = tpu.memref_slice %arg4[%mul3A_52, %dma_wait3A_160] : memref<1638400x128xf32, #tpu.memory_space<hbm>> -> memref<128x128xf32, #tpu.memory_space<hbm>>
        tpu.wait_dma2 semaphore(%run_scoped3A : memref<!tpu.dma_semaphore, #tpu.memory_space<semaphore_mem>>) src(%arg7 : memref<128x128xf32, #tpu.memory_space<vmem>>) dst(%dma_wait3A_161 : memref<128x128xf32, #tpu.memory_space<hbm>>)
        tpu.yield
      }) : () -> ()
      %dma_start3A_53 = arith.constant 3 : i32
      %dma_start3A_54 = arith.constant 0 : i32
      %dma_start3A_55 = tpu.memref_slice %arg5[%dma_start3A_53, %dma_start3A_54] : memref<8x128xi32, #tpu.memory_space<vmem>> -> memref<1x128xi32, #tpu.memory_space<vmem>>
      %dma_start3A_56 = tpu.memref_squeeze %dma_start3A_55 : memref<1x128xi32, #tpu.memory_space<vmem>> -> memref<128xi32, #tpu.memory_space<vmem>>
      %dma_start3A_57 = arith.constant 0 : i32
      %dma_start3A_58 = arith.constant 0 : i32
      %dma_start3A_59 = tpu.memref_slice %arg3[%dma_start3A_57, %dma_start3A_58] : memref<67600x128xf32, #tpu.memory_space<hbm>> -> memref<67600x128xf32, #tpu.memory_space<hbm>>
      tpu.enqueue_indirect_dma source(%dma_start3A_59 : memref<67600x128xf32, #tpu.memory_space<hbm>>) target(%arg7 : memref<128x128xf32, #tpu.memory_space<vmem>>) offsets(%dma_start3A_56 : memref<128xi32, #tpu.memory_space<vmem>>) semaphore(%arg9 : memref<!tpu.dma_semaphore, #tpu.memory_space<semaphore_mem>>)
      %dma_wait3A_60 = arith.constant 2 : i32
      %dma_wait3A_61 = arith.constant 0 : i32
      %dma_wait3A_62 = tpu.memref_slice %arg5[%dma_wait3A_60, %dma_wait3A_61] : memref<8x128xi32, #tpu.memory_space<vmem>> -> memref<1x128xi32, #tpu.memory_space<vmem>>
      %dma_wait3A_63 = tpu.memref_squeeze %dma_wait3A_62 : memref<1x128xi32, #tpu.memory_space<vmem>> -> memref<128xi32, #tpu.memory_space<vmem>>
      %dma_wait3A_64 = arith.constant 0 : i32
      %dma_wait3A_65 = arith.constant 0 : i32
      %dma_wait3A_66 = tpu.memref_slice %arg3[%dma_wait3A_64, %dma_wait3A_65] : memref<67600x128xf32, #tpu.memory_space<hbm>> -> memref<67600x128xf32, #tpu.memory_space<hbm>>
      tpu.wait_indirect_dma semaphore(%arg8 : memref<!tpu.dma_semaphore, #tpu.memory_space<semaphore_mem>>) src(%dma_wait3A_66 : memref<67600x128xf32, #tpu.memory_space<hbm>>) dst(%arg6 : memref<128x128xf32, #tpu.memory_space<vmem>>)
      %add3A_67 = arith.constant 2 : i32
      %add3A_68 = arith.addi %add3A_11, %add3A_67 : i32
      %mul3A_69 = arith.constant 128 : i32
      %mul3A_70 = arith.muli %add3A_68, %mul3A_69 : i32
      "tpu.region"() ({
        %run_scoped3A = tpu.sem_alloc : memref<!tpu.dma_semaphore, #tpu.memory_space<semaphore_mem>>
        %dma_start3A_154 = arith.constant 0 : i32
        %dma_start3A_155 = tpu.memref_slice %arg4[%mul3A_70, %dma_start3A_154] : memref<1638400x128xf32, #tpu.memory_space<hbm>> -> memref<128x128xf32, #tpu.memory_space<hbm>>
        %dma_start3A_156 = arith.constant 0 : i32
        %dma_start3A_157 = tpu.memref_slice %arg4[%mul3A_70, %dma_start3A_156] : memref<1638400x128xf32, #tpu.memory_space<hbm>> -> memref<128x128xf32, #tpu.memory_space<hbm>>
        tpu.enqueue_dma source(%arg6 : memref<128x128xf32, #tpu.memory_space<vmem>>) target(%dma_start3A_157 : memref<128x128xf32, #tpu.memory_space<hbm>>) target_semaphore(%run_scoped3A : memref<!tpu.dma_semaphore, #tpu.memory_space<semaphore_mem>>)
        %dma_wait3A_158 = arith.constant 0 : i32
        %dma_wait3A_159 = tpu.memref_slice %arg4[%mul3A_70, %dma_wait3A_158] : memref<1638400x128xf32, #tpu.memory_space<hbm>> -> memref<128x128xf32, #tpu.memory_space<hbm>>
        %dma_wait3A_160 = arith.constant 0 : i32
        %dma_wait3A_161 = tpu.memref_slice %arg4[%mul3A_70, %dma_wait3A_160] : memref<1638400x128xf32, #tpu.memory_space<hbm>> -> memref<128x128xf32, #tpu.memory_space<hbm>>
        tpu.wait_dma2 semaphore(%run_scoped3A : memref<!tpu.dma_semaphore, #tpu.memory_space<semaphore_mem>>) src(%arg6 : memref<128x128xf32, #tpu.memory_space<vmem>>) dst(%dma_wait3A_161 : memref<128x128xf32, #tpu.memory_space<hbm>>)
        tpu.yield
      }) : () -> ()
      %dma_start3A_71 = arith.constant 4 : i32
      %dma_start3A_72 = arith.constant 0 : i32
      %dma_start3A_73 = tpu.memref_slice %arg5[%dma_start3A_71, %dma_start3A_72] : memref<8x128xi32, #tpu.memory_space<vmem>> -> memref<1x128xi32, #tpu.memory_space<vmem>>
      %dma_start3A_74 = tpu.memref_squeeze %dma_start3A_73 : memref<1x128xi32, #tpu.memory_space<vmem>> -> memref<128xi32, #tpu.memory_space<vmem>>
      %dma_start3A_75 = arith.constant 0 : i32
      %dma_start3A_76 = arith.constant 0 : i32
      %dma_start3A_77 = tpu.memref_slice %arg3[%dma_start3A_75, %dma_start3A_76] : memref<67600x128xf32, #tpu.memory_space<hbm>> -> memref<67600x128xf32, #tpu.memory_space<hbm>>
      tpu.enqueue_indirect_dma source(%dma_start3A_77 : memref<67600x128xf32, #tpu.memory_space<hbm>>) target(%arg6 : memref<128x128xf32, #tpu.memory_space<vmem>>) offsets(%dma_start3A_74 : memref<128xi32, #tpu.memory_space<vmem>>) semaphore(%arg8 : memref<!tpu.dma_semaphore, #tpu.memory_space<semaphore_mem>>)
      %dma_wait3A_78 = arith.constant 3 : i32
      %dma_wait3A_79 = arith.constant 0 : i32
      %dma_wait3A_80 = tpu.memref_slice %arg5[%dma_wait3A_78, %dma_wait3A_79] : memref<8x128xi32, #tpu.memory_space<vmem>> -> memref<1x128xi32, #tpu.memory_space<vmem>>
      %dma_wait3A_81 = tpu.memref_squeeze %dma_wait3A_80 : memref<1x128xi32, #tpu.memory_space<vmem>> -> memref<128xi32, #tpu.memory_space<vmem>>
      %dma_wait3A_82 = arith.constant 0 : i32
      %dma_wait3A_83 = arith.constant 0 : i32
      %dma_wait3A_84 = tpu.memref_slice %arg3[%dma_wait3A_82, %dma_wait3A_83] : memref<67600x128xf32, #tpu.memory_space<hbm>> -> memref<67600x128xf32, #tpu.memory_space<hbm>>
      tpu.wait_indirect_dma semaphore(%arg9 : memref<!tpu.dma_semaphore, #tpu.memory_space<semaphore_mem>>) src(%dma_wait3A_84 : memref<67600x128xf32, #tpu.memory_space<hbm>>) dst(%arg7 : memref<128x128xf32, #tpu.memory_space<vmem>>)
      %add3A_85 = arith.constant 3 : i32
      %add3A_86 = arith.addi %add3A_11, %add3A_85 : i32
      %mul3A_87 = arith.constant 128 : i32
      %mul3A_88 = arith.muli %add3A_86, %mul3A_87 : i32
      "tpu.region"() ({
        %run_scoped3A = tpu.sem_alloc : memref<!tpu.dma_semaphore, #tpu.memory_space<semaphore_mem>>
        %dma_start3A_154 = arith.constant 0 : i32
        %dma_start3A_155 = tpu.memref_slice %arg4[%mul3A_88, %dma_start3A_154] : memref<1638400x128xf32, #tpu.memory_space<hbm>> -> memref<128x128xf32, #tpu.memory_space<hbm>>
        %dma_start3A_156 = arith.constant 0 : i32
        %dma_start3A_157 = tpu.memref_slice %arg4[%mul3A_88, %dma_start3A_156] : memref<1638400x128xf32, #tpu.memory_space<hbm>> -> memref<128x128xf32, #tpu.memory_space<hbm>>
        tpu.enqueue_dma source(%arg7 : memref<128x128xf32, #tpu.memory_space<vmem>>) target(%dma_start3A_157 : memref<128x128xf32, #tpu.memory_space<hbm>>) target_semaphore(%run_scoped3A : memref<!tpu.dma_semaphore, #tpu.memory_space<semaphore_mem>>)
        %dma_wait3A_158 = arith.constant 0 : i32
        %dma_wait3A_159 = tpu.memref_slice %arg4[%mul3A_88, %dma_wait3A_158] : memref<1638400x128xf32, #tpu.memory_space<hbm>> -> memref<128x128xf32, #tpu.memory_space<hbm>>
        %dma_wait3A_160 = arith.constant 0 : i32
        %dma_wait3A_161 = tpu.memref_slice %arg4[%mul3A_88, %dma_wait3A_160] : memref<1638400x128xf32, #tpu.memory_space<hbm>> -> memref<128x128xf32, #tpu.memory_space<hbm>>
        tpu.wait_dma2 semaphore(%run_scoped3A : memref<!tpu.dma_semaphore, #tpu.memory_space<semaphore_mem>>) src(%arg7 : memref<128x128xf32, #tpu.memory_space<vmem>>) dst(%dma_wait3A_161 : memref<128x128xf32, #tpu.memory_space<hbm>>)
        tpu.yield
      }) : () -> ()
      %dma_start3A_89 = arith.constant 5 : i32
      %dma_start3A_90 = arith.constant 0 : i32
      %dma_start3A_91 = tpu.memref_slice %arg5[%dma_start3A_89, %dma_start3A_90] : memref<8x128xi32, #tpu.memory_space<vmem>> -> memref<1x128xi32, #tpu.memory_space<vmem>>
      %dma_start3A_92 = tpu.memref_squeeze %dma_start3A_91 : memref<1x128xi32, #tpu.memory_space<vmem>> -> memref<128xi32, #tpu.memory_space<vmem>>
      %dma_start3A_93 = arith.constant 0 : i32
      %dma_start3A_94 = arith.constant 0 : i32
      %dma_start3A_95 = tpu.memref_slice %arg3[%dma_start3A_93, %dma_start3A_94] : memref<67600x128xf32, #tpu.memory_space<hbm>> -> memref<67600x128xf32, #tpu.memory_space<hbm>>
      tpu.enqueue_indirect_dma source(%dma_start3A_95 : memref<67600x128xf32, #tpu.memory_space<hbm>>) target(%arg7 : memref<128x128xf32, #tpu.memory_space<vmem>>) offsets(%dma_start3A_92 : memref<128xi32, #tpu.memory_space<vmem>>) semaphore(%arg9 : memref<!tpu.dma_semaphore, #tpu.memory_space<semaphore_mem>>)
      %dma_wait3A_96 = arith.constant 4 : i32
      %dma_wait3A_97 = arith.constant 0 : i32
      %dma_wait3A_98 = tpu.memref_slice %arg5[%dma_wait3A_96, %dma_wait3A_97] : memref<8x128xi32, #tpu.memory_space<vmem>> -> memref<1x128xi32, #tpu.memory_space<vmem>>
      %dma_wait3A_99 = tpu.memref_squeeze %dma_wait3A_98 : memref<1x128xi32, #tpu.memory_space<vmem>> -> memref<128xi32, #tpu.memory_space<vmem>>
      %dma_wait3A_100 = arith.constant 0 : i32
      %dma_wait3A_101 = arith.constant 0 : i32
      %dma_wait3A_102 = tpu.memref_slice %arg3[%dma_wait3A_100, %dma_wait3A_101] : memref<67600x128xf32, #tpu.memory_space<hbm>> -> memref<67600x128xf32, #tpu.memory_space<hbm>>
      tpu.wait_indirect_dma semaphore(%arg8 : memref<!tpu.dma_semaphore, #tpu.memory_space<semaphore_mem>>) src(%dma_wait3A_102 : memref<67600x128xf32, #tpu.memory_space<hbm>>) dst(%arg6 : memref<128x128xf32, #tpu.memory_space<vmem>>)
      %add3A_103 = arith.constant 4 : i32
      %add3A_104 = arith.addi %add3A_11, %add3A_103 : i32
      %mul3A_105 = arith.constant 128 : i32
      %mul3A_106 = arith.muli %add3A_104, %mul3A_105 : i32
      "tpu.region"() ({
        %run_scoped3A = tpu.sem_alloc : memref<!tpu.dma_semaphore, #tpu.memory_space<semaphore_mem>>
        %dma_start3A_154 = arith.constant 0 : i32
        %dma_start3A_155 = tpu.memref_slice %arg4[%mul3A_106, %dma_start3A_154] : memref<1638400x128xf32, #tpu.memory_space<hbm>> -> memref<128x128xf32, #tpu.memory_space<hbm>>
        %dma_start3A_156 = arith.constant 0 : i32
        %dma_start3A_157 = tpu.memref_slice %arg4[%mul3A_106, %dma_start3A_156] : memref<1638400x128xf32, #tpu.memory_space<hbm>> -> memref<128x128xf32, #tpu.memory_space<hbm>>
        tpu.enqueue_dma source(%arg6 : memref<128x128xf32, #tpu.memory_space<vmem>>) target(%dma_start3A_157 : memref<128x128xf32, #tpu.memory_space<hbm>>) target_semaphore(%run_scoped3A : memref<!tpu.dma_semaphore, #tpu.memory_space<semaphore_mem>>)
        %dma_wait3A_158 = arith.constant 0 : i32
        %dma_wait3A_159 = tpu.memref_slice %arg4[%mul3A_106, %dma_wait3A_158] : memref<1638400x128xf32, #tpu.memory_space<hbm>> -> memref<128x128xf32, #tpu.memory_space<hbm>>
        %dma_wait3A_160 = arith.constant 0 : i32
        %dma_wait3A_161 = tpu.memref_slice %arg4[%mul3A_106, %dma_wait3A_160] : memref<1638400x128xf32, #tpu.memory_space<hbm>> -> memref<128x128xf32, #tpu.memory_space<hbm>>
        tpu.wait_dma2 semaphore(%run_scoped3A : memref<!tpu.dma_semaphore, #tpu.memory_space<semaphore_mem>>) src(%arg6 : memref<128x128xf32, #tpu.memory_space<vmem>>) dst(%dma_wait3A_161 : memref<128x128xf32, #tpu.memory_space<hbm>>)
        tpu.yield
      }) : () -> ()
      %dma_start3A_107 = arith.constant 6 : i32
      %dma_start3A_108 = arith.constant 0 : i32
      %dma_start3A_109 = tpu.memref_slice %arg5[%dma_start3A_107, %dma_start3A_108] : memref<8x128xi32, #tpu.memory_space<vmem>> -> memref<1x128xi32, #tpu.memory_space<vmem>>
      %dma_start3A_110 = tpu.memref_squeeze %dma_start3A_109 : memref<1x128xi32, #tpu.memory_space<vmem>> -> memref<128xi32, #tpu.memory_space<vmem>>
      %dma_start3A_111 = arith.constant 0 : i32
      %dma_start3A_112 = arith.constant 0 : i32
      %dma_start3A_113 = tpu.memref_slice %arg3[%dma_start3A_111, %dma_start3A_112] : memref<67600x128xf32, #tpu.memory_space<hbm>> -> memref<67600x128xf32, #tpu.memory_space<hbm>>
      tpu.enqueue_indirect_dma source(%dma_start3A_113 : memref<67600x128xf32, #tpu.memory_space<hbm>>) target(%arg6 : memref<128x128xf32, #tpu.memory_space<vmem>>) offsets(%dma_start3A_110 : memref<128xi32, #tpu.memory_space<vmem>>) semaphore(%arg8 : memref<!tpu.dma_semaphore, #tpu.memory_space<semaphore_mem>>)
      %dma_wait3A_114 = arith.constant 5 : i32
      %dma_wait3A_115 = arith.constant 0 : i32
      %dma_wait3A_116 = tpu.memref_slice %arg5[%dma_wait3A_114, %dma_wait3A_115] : memref<8x128xi32, #tpu.memory_space<vmem>> -> memref<1x128xi32, #tpu.memory_space<vmem>>
      %dma_wait3A_117 = tpu.memref_squeeze %dma_wait3A_116 : memref<1x128xi32, #tpu.memory_space<vmem>> -> memref<128xi32, #tpu.memory_space<vmem>>
      %dma_wait3A_118 = arith.constant 0 : i32
      %dma_wait3A_119 = arith.constant 0 : i32
      %dma_wait3A_120 = tpu.memref_slice %arg3[%dma_wait3A_118, %dma_wait3A_119] : memref<67600x128xf32, #tpu.memory_space<hbm>> -> memref<67600x128xf32, #tpu.memory_space<hbm>>
      tpu.wait_indirect_dma semaphore(%arg9 : memref<!tpu.dma_semaphore, #tpu.memory_space<semaphore_mem>>) src(%dma_wait3A_120 : memref<67600x128xf32, #tpu.memory_space<hbm>>) dst(%arg7 : memref<128x128xf32, #tpu.memory_space<vmem>>)
      %add3A_121 = arith.constant 5 : i32
      %add3A_122 = arith.addi %add3A_11, %add3A_121 : i32
      %mul3A_123 = arith.constant 128 : i32
      %mul3A_124 = arith.muli %add3A_122, %mul3A_123 : i32
      "tpu.region"() ({
        %run_scoped3A = tpu.sem_alloc : memref<!tpu.dma_semaphore, #tpu.memory_space<semaphore_mem>>
        %dma_start3A_154 = arith.constant 0 : i32
        %dma_start3A_155 = tpu.memref_slice %arg4[%mul3A_124, %dma_start3A_154] : memref<1638400x128xf32, #tpu.memory_space<hbm>> -> memref<128x128xf32, #tpu.memory_space<hbm>>
        %dma_start3A_156 = arith.constant 0 : i32
        %dma_start3A_157 = tpu.memref_slice %arg4[%mul3A_124, %dma_start3A_156] : memref<1638400x128xf32, #tpu.memory_space<hbm>> -> memref<128x128xf32, #tpu.memory_space<hbm>>
        tpu.enqueue_dma source(%arg7 : memref<128x128xf32, #tpu.memory_space<vmem>>) target(%dma_start3A_157 : memref<128x128xf32, #tpu.memory_space<hbm>>) target_semaphore(%run_scoped3A : memref<!tpu.dma_semaphore, #tpu.memory_space<semaphore_mem>>)
        %dma_wait3A_158 = arith.constant 0 : i32
        %dma_wait3A_159 = tpu.memref_slice %arg4[%mul3A_124, %dma_wait3A_158] : memref<1638400x128xf32, #tpu.memory_space<hbm>> -> memref<128x128xf32, #tpu.memory_space<hbm>>
        %dma_wait3A_160 = arith.constant 0 : i32
        %dma_wait3A_161 = tpu.memref_slice %arg4[%mul3A_124, %dma_wait3A_160] : memref<1638400x128xf32, #tpu.memory_space<hbm>> -> memref<128x128xf32, #tpu.memory_space<hbm>>
        tpu.wait_dma2 semaphore(%run_scoped3A : memref<!tpu.dma_semaphore, #tpu.memory_space<semaphore_mem>>) src(%arg7 : memref<128x128xf32, #tpu.memory_space<vmem>>) dst(%dma_wait3A_161 : memref<128x128xf32, #tpu.memory_space<hbm>>)
        tpu.yield
      }) : () -> ()
      %dma_start3A_125 = arith.constant 7 : i32
      %dma_start3A_126 = arith.constant 0 : i32
      %dma_start3A_127 = tpu.memref_slice %arg5[%dma_start3A_125, %dma_start3A_126] : memref<8x128xi32, #tpu.memory_space<vmem>> -> memref<1x128xi32, #tpu.memory_space<vmem>>
      %dma_start3A_128 = tpu.memref_squeeze %dma_start3A_127 : memref<1x128xi32, #tpu.memory_space<vmem>> -> memref<128xi32, #tpu.memory_space<vmem>>
      %dma_start3A_129 = arith.constant 0 : i32
      %dma_start3A_130 = arith.constant 0 : i32
      %dma_start3A_131 = tpu.memref_slice %arg3[%dma_start3A_129, %dma_start3A_130] : memref<67600x128xf32, #tpu.memory_space<hbm>> -> memref<67600x128xf32, #tpu.memory_space<hbm>>
      tpu.enqueue_indirect_dma source(%dma_start3A_131 : memref<67600x128xf32, #tpu.memory_space<hbm>>) target(%arg7 : memref<128x128xf32, #tpu.memory_space<vmem>>) offsets(%dma_start3A_128 : memref<128xi32, #tpu.memory_space<vmem>>) semaphore(%arg9 : memref<!tpu.dma_semaphore, #tpu.memory_space<semaphore_mem>>)
      %dma_wait3A_132 = arith.constant 6 : i32
      %dma_wait3A_133 = arith.constant 0 : i32
      %dma_wait3A_134 = tpu.memref_slice %arg5[%dma_wait3A_132, %dma_wait3A_133] : memref<8x128xi32, #tpu.memory_space<vmem>> -> memref<1x128xi32, #tpu.memory_space<vmem>>
      %dma_wait3A_135 = tpu.memref_squeeze %dma_wait3A_134 : memref<1x128xi32, #tpu.memory_space<vmem>> -> memref<128xi32, #tpu.memory_space<vmem>>
      %dma_wait3A_136 = arith.constant 0 : i32
      %dma_wait3A_137 = arith.constant 0 : i32
      %dma_wait3A_138 = tpu.memref_slice %arg3[%dma_wait3A_136, %dma_wait3A_137] : memref<67600x128xf32, #tpu.memory_space<hbm>> -> memref<67600x128xf32, #tpu.memory_space<hbm>>
      tpu.wait_indirect_dma semaphore(%arg8 : memref<!tpu.dma_semaphore, #tpu.memory_space<semaphore_mem>>) src(%dma_wait3A_138 : memref<67600x128xf32, #tpu.memory_space<hbm>>) dst(%arg6 : memref<128x128xf32, #tpu.memory_space<vmem>>)
      %add3A_139 = arith.constant 6 : i32
      %add3A_140 = arith.addi %add3A_11, %add3A_139 : i32
      %mul3A_141 = arith.constant 128 : i32
      %mul3A_142 = arith.muli %add3A_140, %mul3A_141 : i32
      "tpu.region"() ({
        %run_scoped3A = tpu.sem_alloc : memref<!tpu.dma_semaphore, #tpu.memory_space<semaphore_mem>>
        %dma_start3A_154 = arith.constant 0 : i32
        %dma_start3A_155 = tpu.memref_slice %arg4[%mul3A_142, %dma_start3A_154] : memref<1638400x128xf32, #tpu.memory_space<hbm>> -> memref<128x128xf32, #tpu.memory_space<hbm>>
        %dma_start3A_156 = arith.constant 0 : i32
        %dma_start3A_157 = tpu.memref_slice %arg4[%mul3A_142, %dma_start3A_156] : memref<1638400x128xf32, #tpu.memory_space<hbm>> -> memref<128x128xf32, #tpu.memory_space<hbm>>
        tpu.enqueue_dma source(%arg6 : memref<128x128xf32, #tpu.memory_space<vmem>>) target(%dma_start3A_157 : memref<128x128xf32, #tpu.memory_space<hbm>>) target_semaphore(%run_scoped3A : memref<!tpu.dma_semaphore, #tpu.memory_space<semaphore_mem>>)
        %dma_wait3A_158 = arith.constant 0 : i32
        %dma_wait3A_159 = tpu.memref_slice %arg4[%mul3A_142, %dma_wait3A_158] : memref<1638400x128xf32, #tpu.memory_space<hbm>> -> memref<128x128xf32, #tpu.memory_space<hbm>>
        %dma_wait3A_160 = arith.constant 0 : i32
        %dma_wait3A_161 = tpu.memref_slice %arg4[%mul3A_142, %dma_wait3A_160] : memref<1638400x128xf32, #tpu.memory_space<hbm>> -> memref<128x128xf32, #tpu.memory_space<hbm>>
        tpu.wait_dma2 semaphore(%run_scoped3A : memref<!tpu.dma_semaphore, #tpu.memory_space<semaphore_mem>>) src(%arg6 : memref<128x128xf32, #tpu.memory_space<vmem>>) dst(%dma_wait3A_161 : memref<128x128xf32, #tpu.memory_space<hbm>>)
        tpu.yield
      }) : () -> ()
      %dma_wait3A_143 = arith.constant 7 : i32
      %dma_wait3A_144 = arith.constant 0 : i32
      %dma_wait3A_145 = tpu.memref_slice %arg5[%dma_wait3A_143, %dma_wait3A_144] : memref<8x128xi32, #tpu.memory_space<vmem>> -> memref<1x128xi32, #tpu.memory_space<vmem>>
      %dma_wait3A_146 = tpu.memref_squeeze %dma_wait3A_145 : memref<1x128xi32, #tpu.memory_space<vmem>> -> memref<128xi32, #tpu.memory_space<vmem>>
      %dma_wait3A_147 = arith.constant 0 : i32
      %dma_wait3A_148 = arith.constant 0 : i32
      %dma_wait3A_149 = tpu.memref_slice %arg3[%dma_wait3A_147, %dma_wait3A_148] : memref<67600x128xf32, #tpu.memory_space<hbm>> -> memref<67600x128xf32, #tpu.memory_space<hbm>>
      tpu.wait_indirect_dma semaphore(%arg9 : memref<!tpu.dma_semaphore, #tpu.memory_space<semaphore_mem>>) src(%dma_wait3A_149 : memref<67600x128xf32, #tpu.memory_space<hbm>>) dst(%arg7 : memref<128x128xf32, #tpu.memory_space<vmem>>)
      %add3A_150 = arith.constant 7 : i32
      %add3A_151 = arith.addi %add3A_11, %add3A_150 : i32
      %mul3A_152 = arith.constant 128 : i32
      %mul3A_153 = arith.muli %add3A_151, %mul3A_152 : i32
      "tpu.region"() ({
        %run_scoped3A = tpu.sem_alloc : memref<!tpu.dma_semaphore, #tpu.memory_space<semaphore_mem>>
        %dma_start3A_154 = arith.constant 0 : i32
        %dma_start3A_155 = tpu.memref_slice %arg4[%mul3A_153, %dma_start3A_154] : memref<1638400x128xf32, #tpu.memory_space<hbm>> -> memref<128x128xf32, #tpu.memory_space<hbm>>
        %dma_start3A_156 = arith.constant 0 : i32
        %dma_start3A_157 = tpu.memref_slice %arg4[%mul3A_153, %dma_start3A_156] : memref<1638400x128xf32, #tpu.memory_space<hbm>> -> memref<128x128xf32, #tpu.memory_space<hbm>>
        tpu.enqueue_dma source(%arg7 : memref<128x128xf32, #tpu.memory_space<vmem>>) target(%dma_start3A_157 : memref<128x128xf32, #tpu.memory_space<hbm>>) target_semaphore(%run_scoped3A : memref<!tpu.dma_semaphore, #tpu.memory_space<semaphore_mem>>)
        %dma_wait3A_158 = arith.constant 0 : i32
        %dma_wait3A_159 = tpu.memref_slice %arg4[%mul3A_153, %dma_wait3A_158] : memref<1638400x128xf32, #tpu.memory_space<hbm>> -> memref<128x128xf32, #tpu.memory_space<hbm>>
        %dma_wait3A_160 = arith.constant 0 : i32
        %dma_wait3A_161 = tpu.memref_slice %arg4[%mul3A_153, %dma_wait3A_160] : memref<1638400x128xf32, #tpu.memory_space<hbm>> -> memref<128x128xf32, #tpu.memory_space<hbm>>
        tpu.wait_dma2 semaphore(%run_scoped3A : memref<!tpu.dma_semaphore, #tpu.memory_space<semaphore_mem>>) src(%arg7 : memref<128x128xf32, #tpu.memory_space<vmem>>) dst(%dma_wait3A_161 : memref<128x128xf32, #tpu.memory_space<hbm>>)
        tpu.yield
      }) : () -> ()
    }
    %scan3A_7 = arith.constant 50 : i32
    return
  }
}

module attributes {stable_mosaic.version = 14 : i64} {
  func.func @_idx_body(%arg0: i32, %arg1: memref<1024x200xi32, #tpu.memory_space<vmem>>, %arg2: memref<200x100xf32, #tpu.memory_space<vmem>>, %arg3: memref<1024x100xi32, #tpu.memory_space<vmem>>) attributes {dimension_semantics = [#tpu.dimension_semantics<arbitrary>], iteration_bounds = array<i64: 16>, scalar_prefetch = 0 : i64, scratch_operands = 0 : i64, tpu.core_type = #tpu.core_type<tc>, window_params = [{transform_indices = @transform_0, window_bounds = array<i64: 1024, 200>}, {pipeline_mode = #tpu.pipeline_mode<synchronous>, transform_indices = @transform_1, window_bounds = array<i64: 200, 100>}, {transform_indices = @transform_2, window_bounds = array<i64: 1024, 100>}]} {
    %get3A = arith.constant 0 : index
    %get3A_0 = arith.constant 0 : index
    %get3A_1 = vector.load %arg1[%get3A, %get3A_0] : memref<1024x200xi32, #tpu.memory_space<vmem>>, vector<1024x200xi32>
    %convert_element_type3A = arith.sitofp %get3A_1 : vector<1024x200xi32> to vector<1024x200xf32>
    %get3A_2 = arith.constant 0 : index
    %get3A_3 = arith.constant 0 : index
    %get3A_4 = vector.load %arg2[%get3A_2, %get3A_3] : memref<200x100xf32, #tpu.memory_space<vmem>>, vector<200x100xf32>
    %dot_general3A = arith.constant dense<0.000000e+00> : vector<1024x100xf32>
    %dot_general3A_5 = tpu.matmul %convert_element_type3A, %get3A_4, %dot_general3A {dimension_numbers = #tpu.dot_dimension_numbers<[1], [0], [0], [1], [0, 0, 1, 1], [], []>, transpose_lhs_hint = false} : vector<1024x200xf32>, vector<200x100xf32>, vector<1024x100xf32> -> vector<1024x100xf32>
    %iota3A = tpu.iota {dimensions = array<i32: 1>} : vector<1024x100xi32>
    %convert_element_type3A_6 = arith.fptosi %dot_general3A_5 : vector<1024x100xf32> to vector<1024x100xi32>
    %mul3A = arith.constant 676 : i32
    %mul3A_7 = vector.broadcast %mul3A : i32 to vector<1024x100xi32>
    %mul3A_8 = arith.muli %iota3A, %mul3A_7 : vector<1024x100xi32>
    %add3A = arith.addi %convert_element_type3A_6, %mul3A_8 : vector<1024x100xi32>
    %swap3A = arith.constant 0 : index
    %swap3A_9 = arith.constant 0 : index
    %swap3A_10 = vector.load %arg3[%swap3A, %swap3A_9] : memref<1024x100xi32, #tpu.memory_space<vmem>>, vector<1024x100xi32>
    tpu.vector_store %arg3[%swap3A, %swap3A_9], %add3A {strides = array<i32>} : memref<1024x100xi32, #tpu.memory_space<vmem>>, vector<1024x100xi32>,
    return
  }
  func.func @transform_0(%arg0: i32) -> (i32, i32) {
    %c0_i32 = arith.constant 0 : i32
    %c0_i32_0 = arith.constant 0 : i32
    return %arg0, %c0_i32 : i32, i32
  }
  func.func @transform_1(%arg0: i32) -> (i32, i32) {
    %c0_i32 = arith.constant 0 : i32
    %c0_i32_0 = arith.constant 0 : i32
    %c0_i32_1 = arith.constant 0 : i32
    return %c0_i32, %c0_i32_0 : i32, i32
  }
  func.func @transform_2(%arg0: i32) -> (i32, i32) {
    %c0_i32 = arith.constant 0 : i32
    %c0_i32_0 = arith.constant 0 : i32
    return %arg0, %c0_i32 : i32, i32
  }
}

module attributes {stable_mosaic.version = 14 : i64} {
  func.func @_fused_body(%arg0: memref<26x64xf32, #tpu.memory_space<vmem>>, %arg1: memref<300x64xf32, #tpu.memory_space<vmem>>, %arg2: memref<1x64xf32, #tpu.memory_space<vmem>>, %arg3: memref<1x64xf32, #tpu.memory_space<vmem>>, %arg4: memref<200x26x64xf32, #tpu.memory_space<vmem>>) attributes {dimension_semantics = [], scalar_prefetch = 0 : i64, scratch_operands = 0 : i64, tpu.core_type = #tpu.core_type<tc>} {
    %get3A = arith.constant 0 : index
    %get3A_0 = arith.constant 0 : index
    %get3A_1 = vector.load %arg1[%get3A, %get3A_0] : memref<300x64xf32, #tpu.memory_space<vmem>>, vector<200x64xf32>
    %broadcast_in_dim3A = vector.shape_cast %get3A_1 : vector<200x64xf32> to vector<200x1x64xf32>
    %get3A_2 = arith.constant 0 : index
    %get3A_3 = arith.constant 0 : index
    %get3A_4 = vector.load %arg0[%get3A_2, %get3A_3] : memref<26x64xf32, #tpu.memory_space<vmem>>, vector<26x64xf32>
    %broadcast_in_dim3A_5 = vector.shape_cast %get3A_4 : vector<26x64xf32> to vector<1x26x64xf32>
    %add3A = vector.broadcast %broadcast_in_dim3A : vector<200x1x64xf32> to vector<200x26x64xf32>
    %add3A_6 = vector.broadcast %broadcast_in_dim3A_5 : vector<1x26x64xf32> to vector<200x26x64xf32>
    %add3A_7 = arith.addf %add3A, %add3A_6 : vector<200x26x64xf32>
    %reduce_sum3A = arith.constant dense<0.000000e+00> : vector<200x26xf32>
    %reduce_sum3A_8 = vector.multi_reduction <add>, %add3A_7, %reduce_sum3A [2] : vector<200x26x64xf32> to vector<200x26xf32>
    %broadcast_in_dim3A_9 = vector.shape_cast %reduce_sum3A_8 : vector<200x26xf32> to vector<200x26x1xf32>
    %div3A = arith.constant 6.400000e+01 : f32
    %div3A_10 = vector.broadcast %div3A : f32 to vector<200x26x1xf32>
    %div3A_11 = arith.divf %broadcast_in_dim3A_9, %div3A_10 : vector<200x26x1xf32>
    %sub3A = vector.broadcast %div3A_11 : vector<200x26x1xf32> to vector<200x26x64xf32>
    %sub3A_12 = arith.subf %add3A_7, %sub3A : vector<200x26x64xf32>
    %mul3A = arith.mulf %sub3A_12, %sub3A_12 : vector<200x26x64xf32>
    %reduce_sum3A_13 = arith.constant dense<0.000000e+00> : vector<200x26xf32>
    %reduce_sum3A_14 = vector.multi_reduction <add>, %mul3A, %reduce_sum3A_13 [2] : vector<200x26x64xf32> to vector<200x26xf32>
    %broadcast_in_dim3A_15 = vector.shape_cast %reduce_sum3A_14 : vector<200x26xf32> to vector<200x26x1xf32>
    %div3A_16 = arith.constant 6.400000e+01 : f32
    %div3A_17 = vector.broadcast %div3A_16 : f32 to vector<200x26x1xf32>
    %div3A_18 = arith.divf %broadcast_in_dim3A_15, %div3A_17 : vector<200x26x1xf32>
    %add3A_19 = arith.constant 9.99999974E-6 : f32
    %add3A_20 = vector.broadcast %add3A_19 : f32 to vector<200x26x1xf32>
    %add3A_21 = arith.addf %div3A_18, %add3A_20 : vector<200x26x1xf32>
    %rsqrt3A = math.rsqrt %add3A_21 : vector<200x26x1xf32>
    %mul3A_22 = vector.broadcast %rsqrt3A : vector<200x26x1xf32> to vector<200x26x64xf32>
    %mul3A_23 = arith.mulf %sub3A_12, %mul3A_22 : vector<200x26x64xf32>
    %get3A_24 = arith.constant 0 : index
    %get3A_25 = arith.constant 0 : index
    %get3A_26 = vector.load %arg2[%get3A_24, %get3A_25] : memref<1x64xf32, #tpu.memory_space<vmem>>, vector<1x64xf32>
    %broadcast_in_dim3A_27 = vector.shape_cast %get3A_26 : vector<1x64xf32> to vector<1x1x64xf32>
    %mul3A_28 = vector.broadcast %broadcast_in_dim3A_27 : vector<1x1x64xf32> to vector<200x26x64xf32>
    %mul3A_29 = arith.mulf %mul3A_23, %mul3A_28 : vector<200x26x64xf32>
    %get3A_30 = arith.constant 0 : index
    %get3A_31 = arith.constant 0 : index
    %get3A_32 = vector.load %arg3[%get3A_30, %get3A_31] : memref<1x64xf32, #tpu.memory_space<vmem>>, vector<1x64xf32>
    %broadcast_in_dim3A_33 = vector.shape_cast %get3A_32 : vector<1x64xf32> to vector<1x1x64xf32>
    %add3A_34 = vector.broadcast %broadcast_in_dim3A_33 : vector<1x1x64xf32> to vector<200x26x64xf32>
    %add3A_35 = arith.addf %mul3A_29, %add3A_34 : vector<200x26x64xf32>
    %swap3A = arith.constant 0 : index
    %swap3A_36 = arith.constant 0 : index
    %swap3A_37 = arith.constant 0 : index
    %swap3A_38 = vector.load %arg4[%swap3A, %swap3A_36, %swap3A_37] : memref<200x26x64xf32, #tpu.memory_space<vmem>>, vector<200x26x64xf32>
    tpu.vector_store %arg4[%swap3A, %swap3A_36, %swap3A_37], %add3A_35 {strides = array<i32>} : memref<200x26x64xf32, #tpu.memory_space<vmem>>, vector<200x26x64xf32>,
    return
  }
}

module attributes {stable_mosaic.version = 14 : i64} {
  func.func @_pair_body(%arg0: i32, %arg1: memref<2x26x64xf32, #tpu.memory_space<vmem>>, %arg2: memref<1x26x26x128xf32, #tpu.memory_space<vmem>>) attributes {dimension_semantics = [#tpu.dimension_semantics<arbitrary>], iteration_bounds = array<i64: 100>, scalar_prefetch = 0 : i64, scratch_operands = 0 : i64, tpu.core_type = #tpu.core_type<tc>, window_params = [{transform_indices = @transform_0, window_bounds = array<i64: 2, 26, 64>}, {transform_indices = @transform_1, window_bounds = array<i64: 1, 26, 26, 128>}]} {
    %get3A = arith.constant 0 : index
    %get3A_0 = arith.constant 0 : index
    %get3A_1 = arith.constant 0 : index
    %get3A_2 = vector.load %arg1[%get3A, %get3A_0, %get3A_1] : memref<2x26x64xf32, #tpu.memory_space<vmem>>, vector<1x26x64xf32>
    %get3A_3 = vector.shape_cast %get3A_2 : vector<1x26x64xf32> to vector<26x64xf32>
    %broadcast_in_dim3A = vector.shape_cast %get3A_3 : vector<26x64xf32> to vector<26x1x64xf32>
    %get3A_4 = arith.constant 1 : index
    %get3A_5 = arith.constant 0 : index
    %get3A_6 = arith.constant 0 : index
    %get3A_7 = vector.load %arg1[%get3A_4, %get3A_5, %get3A_6] : memref<2x26x64xf32, #tpu.memory_space<vmem>>, vector<1x26x64xf32>
    %get3A_8 = vector.shape_cast %get3A_7 : vector<1x26x64xf32> to vector<26x64xf32>
    %broadcast_in_dim3A_9 = vector.shape_cast %get3A_8 : vector<26x64xf32> to vector<1x26x64xf32>
    %broadcast_in_dim3A_10 = vector.shape_cast %broadcast_in_dim3A : vector<26x1x64xf32> to vector<26x1x64xf32>
    %broadcast_in_dim3A_11 = vector.broadcast %broadcast_in_dim3A_10 : vector<26x1x64xf32> to vector<26x26x64xf32>
    %broadcast_in_dim3A_12 = vector.shape_cast %broadcast_in_dim3A_9 : vector<1x26x64xf32> to vector<1x26x64xf32>
    %broadcast_in_dim3A_13 = vector.broadcast %broadcast_in_dim3A_12 : vector<1x26x64xf32> to vector<26x26x64xf32>
    %concatenate3A = tpu.concatenate %broadcast_in_dim3A_11, %broadcast_in_dim3A_13 in 2 : vector<26x26x64xf32>, vector<26x26x64xf32> -> vector<26x26x128xf32>
    %broadcast_in_dim3A_14 = vector.shape_cast %concatenate3A : vector<26x26x128xf32> to vector<1x26x26x128xf32>
    %swap3A = arith.constant 0 : index
    %swap3A_15 = arith.constant 0 : index
    %swap3A_16 = arith.constant 0 : index
    %swap3A_17 = arith.constant 0 : index
    %swap3A_18 = vector.load %arg2[%swap3A, %swap3A_15, %swap3A_16, %swap3A_17] : memref<1x26x26x128xf32, #tpu.memory_space<vmem>>, vector<1x26x26x128xf32>
    tpu.vector_store %arg2[%swap3A, %swap3A_15, %swap3A_16, %swap3A_17], %broadcast_in_dim3A_14 {strides = array<i32>} : memref<1x26x26x128xf32, #tpu.memory_space<vmem>>, vector<1x26x26x128xf32>,
    return
  }
  func.func @transform_0(%arg0: i32) -> (i32, i32, i32) {
    %c0_i32 = arith.constant 0 : i32
    %c0_i32_0 = arith.constant 0 : i32
    %c0_i32_1 = arith.constant 0 : i32
    return %arg0, %c0_i32, %c0_i32_0 : i32, i32, i32
  }
  func.func @transform_1(%arg0: i32) -> (i32, i32, i32, i32) {
    %c0_i32 = arith.constant 0 : i32
    %c0_i32_0 = arith.constant 0 : i32
    %c0_i32_1 = arith.constant 0 : i32
    %c0_i32_2 = arith.constant 0 : i32
    return %arg0, %c0_i32, %c0_i32_0, %c0_i32_1 : i32, i32, i32, i32
  }
}

</mosaic_0001>

<sc_bundles>
// kernel: kernel.6.cloned.1.call-start
scs
__scs_entry_jumppad:
0x0: {  	(pc) =	sbr.rel $0x88, $3  }
0x1: {  	(tag) =	ssettag $0x0;
	lr =	simm.s32 $0x1  }
0x2: {  	[smem:$0x3F9C] =	sst lr;
	_ =	strace $0xD0000000  }
0x3: {  	_ = 	snop  }
0x4: {  	_ = 	snop  }
0x5: {  	_ = 	snop  }
0x6: {  	_ = 	snop  }
0x7: {  	_ = 	snop  }
__scs_overlays_trampoline_lowered:
0x8: {  	[smem:$0x3FAB] =	sst s0  }
0x9: {  	[smem:$0x3FAC] =	sst s1  }
0xa: {  	[smem:$0x3FAD] =	sst s2  }
0xb: {  	[smem:$0x3FAE] =	sst s3  }
0xc: {  	[smem:$0x3FAF] =	sst s4  }
0xd: {  	[smem:$0x3FB0] =	sst s5  }
0xe: {  	[smem:$0x3FB1] =	sst s6  }
0xf: {  	[smem:$0x3FB2] =	sst s7  }
0x10: {  	[smem:$0x3FB3] =	sst s8  }
0x11: {  	[smem:$0x3FB4] =	sst s9;
	s0 =	simm.s32 @!p0 $0x0  }
0x12: {  	s1 =	sld [smem:$0x3F9A];
	s0 =	simm.s32 @p0 $0x1  }
0x13: {  	[smem:$0x3FB5] =	sst s0;
	s0 =	simm.s32 @!p1 $0x0  }
0x14: {  	s2 =	sld [smem:$0x3F99];
	s0 =	simm.s32 @p1 $0x1  }
0x15: {  	[smem:$0x3FB6] =	sst s0;
	s0 =	simm.s32 @!p2 $0x0  }
0x16: {  	s3 =	sld [smem:$0x3FDB];
	s0 =	simm.s32 @p2 $0x1  }
0x17: {  	s4 =	simm.s32 $0x1BF5;
	[smem:$0x3FB8] =	sst s0  }
0x18: {  	s0 =	sld [smem:$0x3F9B];
	_ =	swait.ge [sflag:s4], $0x0  }
0x19: {  	s7 =	sld [smem:$0x3F9C]  }
0x1a: {  	s8 =	sadd.s32 $0xFFFFE003, lr  }
0x1b: {  	s9 =	sadd.s32 $0xFFFFFEF7, lr;
	s5 =	simm.s32 $0xFFFFFFFF;
	p2 =	slt.u32 s8, $0xFFFFF086  }
0x1c: {  	p1 =	slt.u32 s9, $0xF7A;
	s5 =	simm.s32 @!p2 $0x0  }
0x1d: {  	s5 =	simm.s32 @p1 $0x1;
	p0 =	seq.s32 s7, s2  }
0x1e: {  	s7 =	smul.u32 @!p0 $0xF7A, s2;
	p2 =	seq.s32 @!p0 s5, $0x0  }
0x1f: {  	s9 =	smul.u32 $0xF7A, s1;
	s8 =	simm.s32 @!p0 $0x1BF5;
	p2 =	por !p2, p0  }
0x20: {  	[sflag:s8] =	ssyncset.s32 @!p0 $0xFFFFF086;
	s6 =	sadd.s32 @!p0 s3, s7;
	s7 =	simm.s32 @!p0 $0x108  }
0x21: {  	s3 =	sadd.s32 s3, s9;
	s6 =	sadd.s32 @!p0 $0x88, s6;
	s7 =	simm.s32 @p2 $0x1082  }
0x22: {  	[simem:s7], [sflag:s8] =	dma.local @!p0 [hbm:s6], $0xF7A  }
0x23: {  	s9 =	sor.u32 $0xD0000000, s2;
	s6 =	simm.s32 $0x108;
	_ =	swait.ge @!p0 [sflag:s8], $0x0  }
0x24: {  	s3 =	sadd.s32 $0x88, s3;
	s6 =	simm.s32 @!p1 $0x1082;
	[sflag:s4] =	ssyncset.s32 $0xFFFFF086  }
0x25: {  	[simem:s6], [sflag:s4] =	dma.local [hbm:s3], $0xF7A  }
0x26: {  	[smem:$0x3F9C] =	sst s1;
	(tag) =	ssettag s2;
	_ =	strace s9  }
0x27: {  	s1 =	sld [smem:$0x3FAC]  }
0x28: {  	s2 =	sld [smem:$0x3FAD]  }
0x29: {  	s4 =	sld [smem:$0x3FAF]  }
0x2a: {  	p0 =	seq.s32 s5, $0x0;
	s5 =	sld [smem:$0x3FB0]  }
0x2b: {  	s6 =	sld [smem:$0x3FB1]  }
0x2c: {  	s7 =	sld [smem:$0x3FB2]  }
0x2d: {  	s3 =	simm.s32 $0x108;
	s8 =	sld [smem:$0x3FB3]  }
0x2e: {  	s3 =	simm.s32 @!p0 $0x1082;
	s9 =	sld [smem:$0x3FB4]  }
0x2f: {  	lr =	sadd.s32 s0, s3;
	s0 =	sld [smem:$0x3FAB]  }
0x30: {  	s3 =	sld [smem:$0x3FAE]  }
0x31: {  	[smem:$0x3FB7] =	sst s10  }
0x32: {  	s10 =	sld [smem:$0x3FB5];
	_ =	sdelay $0x3  }
0x33: {  	p0 =	seq.s32 s10, $0x1;
	s10 =	sld [smem:$0x3FB7];
	_ =	sdelay $0x3  }
0x34: {  	[smem:$0x3FB7] =	sst s10  }
0x35: {  	s10 =	sld [smem:$0x3FB6];
	_ =	sdelay $0x3  }
0x36: {  	p1 =	seq.s32 s10, $0x1;
	s10 =	sld [smem:$0x3FB7];
	_ =	sdelay $0x3  }
0x37: {  	[smem:$0x3FB7] =	sst s10  }
0x38: {  	s10 =	sld [smem:$0x3FB8]  }
0x39: {  	_ = 	snop;
	(pc) =	sbr.ind lr, $3  }
0x3a: {  	_ = 	snop  }
0x3b: {  	_ = 	snop  }
0x3c: {  	p2 =	seq.s32 s10, $0x1;
	s10 =	sld [smem:$0x3FB7]  }
0x3d: {  	_ =	shalt  }
0x3e: {  	_ =	shalt  }
0x3f: {  	_ =	shalt  }
0x40: {  	_ =	shalt  }
0x41: {  	_ =	shalt  }
0x42: {  	_ =	shalt  }
0x43: {  	_ =	shalt  }
0x44: {  	_ =	shalt  }
0x45: {  	_ =	shalt  }
0x46: {  	_ =	shalt  }
0x47: {  	_ =	shalt  }
0x48: {  	_ =	shalt  }
0x49: {  	_ =	shalt  }
0x4a: {  	_ =	shalt  }
0x4b: {  	_ =	shalt  }
0x4c: {  	_ =	shalt  }
0x4d: {  	_ =	shalt  }
0x4e: {  	_ =	shalt  }
0x4f: {  	_ =	shalt  }
0x50: {  	_ =	shalt  }
0x51: {  	_ =	shalt  }
0x52: {  	_ =	shalt  }
0x53: {  	_ =	shalt  }
0x54: {  	_ =	shalt  }
0x55: {  	_ =	shalt  }
0x56: {  	_ =	shalt  }
0x57: {  	_ =	shalt  }
0x58: {  	_ =	shalt  }
0x59: {  	_ =	shalt  }
0x5a: {  	_ =	shalt  }
0x5b: {  	_ =	shalt  }
0x5c: {  	_ =	shalt  }
0x5d: {  	_ =	shalt  }
0x5e: {  	_ =	shalt  }
0x5f: {  	_ =	shalt  }
0x60: {  	_ =	shalt  }
0x61: {  	_ =	shalt  }
0x62: {  	_ =	shalt  }
0x63: {  	_ =	shalt  }
0x64: {  	_ =	shalt  }
0x65: {  	_ =	shalt  }
0x66: {  	_ =	shalt  }
0x67: {  	_ =	shalt  }
0x68: {  	_ =	shalt  }
0x69: {  	_ =	shalt  }
0x6a: {  	_ =	shalt  }
0x6b: {  	_ =	shalt  }
0x6c: {  	_ =	shalt  }
0x6d: {  	_ =	shalt  }
0x6e: {  	_ =	shalt  }
0x6f: {  	_ =	shalt  }
0x70: {  	_ =	shalt  }
0x71: {  	_ =	shalt  }
0x72: {  	_ =	shalt  }
0x73: {  	_ =	shalt  }
0x74: {  	_ =	shalt  }
0x75: {  	_ =	shalt  }
0x76: {  	_ =	shalt  }
0x77: {  	_ =	shalt  }
0x78: {  	_ =	shalt  }
0x79: {  	_ =	shalt  }
0x7a: {  	_ =	shalt  }
0x7b: {  	_ =	shalt  }
0x7c: {  	_ =	shalt  }
0x7d: {  	_ =	shalt  }
0x7e: {  	_ =	shalt  }
0x7f: {  	_ =	shalt  }
0x80: {  	_ =	shalt  }
0x81: {  	_ =	shalt  }
0x82: {  	_ =	shalt  }
0x83: {  	_ =	shalt  }
0x84: {  	_ =	shalt  }
0x85: {  	_ =	shalt  }
0x86: {  	_ =	shalt  }
0x87: {  	_ =	shalt  }
.Lfunc_end0:
.L_simem_size_0:
called_computation.1_lowered:
.L_overlay_start_0:
0x88: {  	s2 =	sld [smem:$0x3FD9]  }
0x89: {  	s3 =	sld [smem:$0x3FFE];
	_ =	sdelay $0x1  }
0x8a: {  	s1 =	srdreg.scid  }
0x8b: {  	s0 =	sand.u32 $0x1, s1  }
0x8c: {  	s17 =	sshll.u32 s0, $0xA;
	s2 =	sadd.s32 s3, s2  }
0x8d: {  	s2 =	sadd.s32 s2, s17  }
0x8e: {  	[smem:$0x3FC3] =	sst s2  }
0x8f: {  	_ = 	snop  }
0x90: {  	s2 =	sld [smem:$0x3FD0];
	(tm) =	ssettm $0x1  }
0x91: {  	s18 =	sld [smem:$0x3FFB];
	_ =	sdelay $0x3  }
0x92: {  	_ =	strace s18  }
0x93: {  	s3 =	sld [smem:$0x3FFC];
	_ =	sdelay $0x3  }
0x94: {  	_ =	strace s3  }
0x95: {  	s3 =	sld [smem:$0x3FFD];
	_ =	sdelay $0x3  }
0x96: {  	_ =	strace s3  }
0x97: {  	_ =	strace $0x8FFFFFFF  }
0x98: {  	s19 =	sld [smem:$0x3FDB];
	_ =	sdelay $0x1  }
0x99: {  	s4 =	simm.s32 $_scs_section_size  }
0x9a: {  	s5 =	simm.s32 $_size__tile_overlayer_lowered;
	s6 =	simm.s32 $_tile_overlayer_lowered  }
0x9b: {  	s22 =	simm.s32 $0x1BFF;
	s21 =	sshll.u32 s6, $0x1;
	s3 =	sadd.s32 s4, s19  }
0x9c: {  	s7 =	simm.s32 $0x0;
	s20 =	sshll.u32 s5, $0x1;
	s5 =	sadd.s32 s21, s3  }
0x9d: {  	[timem:s7], [sflag:s22] =	dma.local [hbm:s5], s20  }
0x9e: {  	_ =	swait.ge [sflag:s22], s20  }
0x9f: {  	s4 =	ssub.s32 $0x0, s20;
	[sflag:s22] =	ssyncset.done $0x0  }
0xa0: {  	[sflag:s22] =	ssyncadd.s32 s4;
	_ =	sdelay $0x1  }
0xa1: {  	s23 =	simm.s32 $0x1B8B  }
0xa2: {  	_ =	swait.ge [sflag:s23], $0x1  }
0xa3: {  	[sflag:s23] =	ssyncset.done $0x0  }
0xa4: {  	s25 =	simm.s32 $0x1B8E;
	s24 =	sld [smem:$0x3FFE];
	[sflag:s23] =	ssyncadd.s32 $0xFFFFFFFF  }
0xa5: {  	s26 =	simm.s32 $execute0_lowered;
	[smem:$0x3FD2] =	sst s25  }
0xa6: {  	s5 =	sshll.u32 s26, $0x1;
	_ =	strace $0x80000046;
	[dreg:$0x1] =	wrdreg $0xFFFFFFFF  }
0xa7: {  	s28 =	simm.s32 $_size_execute0_lowered;
	s3 =	sadd.s32 s3, s5;
	[dreg:$0x0] =	wrdreg $0x0  }
0xa8: {  	s5 =	sshll.u32 s28, $0x1;
	[dreg:$0x2] =	wrdreg s3  }
0xa9: {  	[dreg:$0x3] =	wrdreg s5  }
0xaa: {  	[dreg:$0x4] =	wrdreg $0xC0  }
0xab: {  	_ =	task [dreg:s7], $0x5FFFF  }
0xac: {  	[dreg:$0x1] =	wrdreg $0xFFFFFFFF  }
0xad: {  	[dreg:$0x0] =	wrdreg $0x60  }
0xae: {  	[dreg:$0x2] =	wrdreg s24  }
0xaf: {  	[dreg:$0x3] =	wrdreg s2  }
0xb0: {  	[dreg:$0x4] =	wrdreg $0x9  }
0xb1: {  	_ =	task.clear_ibuf [dreg:s7], $0x5FFFF;
	_ =	strace $0x90000046  }
0xb2: {  	s29 =	simm.s32 $0x9;
	_ =	strace $0x80000048  }
0xb3: {  	_ =	swait.ge [sflag:s29], $0x1  }
0xb4: {  	[sflag:s29] =	ssyncadd.s32 $0xFFFFFFFF  }
0xb5: {  	_ =	strace $0x90000048  }
0xb6: {  	_ =	sfence  }
0xb7: {  	s30 =	sld [smem:$0x0];
	_ =	sdelay $0x2  }
0xb8: {  	s31 =	sshll.u32 s1, $0xD;
	s1 =	sshrl.u32 s1, $0x2  }
0xb9: {  	s3 =	sand.u32 $0x4000, s31;
	s1 =	sadd.s32 s1, s30  }
0xba: {  	s0 =	sor.u32 s3, s0;
	s1 =	sshll.u32 s1, $0x11  }
0xbb: {  	s0 =	sor.u32 s1, s0  }
0xbc: {  	s0 =	sadd.s32 $0x8F2B, s0  }
0xbd: {  	[sflag:s0] =	ssyncadd.remote.s32 $0x1  }
0xbe: {  	_ =	sfence.sel $0xFFFF  }
0xbf: {  	[dreg:$0x0] =	wrdreg $0xFFFFFFFF;
	(pc) =	sbr.abs _section_cstart, $3  }
0xc0: {  	[dreg:$0x1] =	wrdreg $0xFFFFFFFF  }
0xc1: {  	_ =	task.clear_ibuf [dreg:s7], $0x2FFFF;
	_ =	strace $0x9FFFFFFF  }
0xc2: {  	(tm) =	ssettm $0x7FFFFFFF  }
0xc3: {  	_ =	shalt  }
tec
execute0_lowered:
.L_overlay_start_1:
0x0: {  	(tag) =	ssettag $0x1  }
0x1: {  	s3 =	rddreg [dreg:$0x0]  }
0x2: {  	s5 =	rddreg [dreg:$0x1]  }
0x3: {  	s0 =	rddreg [dreg:$0x2]  }
0x4: {  	s2 =	simm.s32 $0x0;
	s1 =	stileid.u32;
	s4 =	srdreg.scid  }
0x5: {  	s11 =	simm.s32 $0x1;
	s12 =	simm.s32 $0x100;
	s13 =	simm.s32 $0x2  }
0x6: {  	s14 =	simm.s32 $0x180;
	s15 =	simm.s32 $0x200;
	s16 =	simm.s32 $0x280  }
0x7: {  	s17 =	simm.s32 $0x300;
	s18 =	simm.s32 $0x380;
	s6 =	smul.u32 $0x3200, s1  }
0x8: {  	[smem:$0x7FF] =	sst s2;
	s4 =	sand.u32 $0x1, s4;
	s10 =	smul.u32 $0x190000, s1  }
0x9: {  	s19 =	simm.s32 $0x0;
	_ =	strace $0x80000047;
	s8 =	smul.u32 $0x1900, s4  }
0xa: {  	s7 =	ssub.s32 $0x2, s4;
	s30 =	smul.u32 $0xC8000, s4;
	s6 =	sadd.s32 s6, s3  }
0xb: {  	s9 =	sshrl.u32 s7, $0x1;
	s3 =	sadd.s32 $0x33000, s3;
	s31 =	sadd.s32 s10, s5  }
0xc: {  	s10 =	simm.s32 $0x4400;
	s7 =	ssub.s32 s7, s9;
	s6 =	sadd.s32 s8, s6  }
0xd: {  	s8 =	simm.s32 $0x80;
	s9 =	simm.s32 $0x400;
	s4 =	smax.u32 s7, $0x1  }
0xe: {  	s5 =	sadd.s32 $0x1000, s6;
	s6 =	sadd.s32 s30, s31;
	s7 =	simm.s32 $0x3  }
.LBB2_1:
0xf: {  	[tilespmem:s2], [sflag:$0x3] =	stream.linear.gather [hbm4b:s5+s2], $0x400, $0x38;
	[tilespmem:$0x8400] =	vst v63  }
0x10: {  	_ =	swait.ge [sflag:s7], $0x400  }
0x11: {  	[sflag:s7] =	ssyncset.done $0x0  }
0x12: {  	[sflag:s7] =	ssyncadd.s32 $0xFFFFFC00  }
0x13: {  	[tilespmem:s9], [sflag:$0x1] =	stream.indirect.gather [hbm4b:s3+s8], $0x80, s2, s8, $0xb8;
	[tilespmem:$0x8400] =	vst v63  }
0x14: {  	_ = 	snop  }
0x15: {  	[tilespmem:s10], [sflag:$0x2] =	stream.indirect.gather [hbm4b:s3+s8], $0x80, s8, s8, $0xb8;
	[tilespmem:$0x8400] =	vst v63  }
0x16: {  	_ =	swait.ge [sflag:s11], $0x4000  }
0x17: {  	[sflag:s11] =	ssyncset.done $0x0  }
0x18: {  	s20 =	sadd.s32 $0x0, s6;
	[sflag:s11] =	ssyncadd.s32 $0xFFFFC000  }
0x19: {  	[hbm4b:s20+s2] =	stream.linear.scatter [tilespmem:s9], [sflag:$0x3], $0x4000, $0x38;
	[tilespmem:$0x8400] =	vst v63  }
0x1a: {  	_ =	swait.ge [sflag:s7], $0x4000  }
0x1b: {  	[sflag:s7] =	ssyncset.done $0x0  }
0x1c: {  	[sflag:s7] =	ssyncadd.s32 $0xFFFFC000  }
0x1d: {  	[tilespmem:s9], [sflag:$0x1] =	stream.indirect.gather [hbm4b:s3+s8], $0x80, s12, s8, $0xb8;
	[tilespmem:$0x8400] =	vst v63  }
0x1e: {  	_ =	swait.ge [sflag:s13], $0x4000  }
0x1f: {  	[sflag:s13] =	ssyncset.done $0x0  }
0x20: {  	s21 =	sadd.s32 $0x800, s20;
	[sflag:s13] =	ssyncadd.s32 $0xFFFFC000  }
0x21: {  	[hbm4b:s21+s2] =	stream.linear.scatter [tilespmem:s10], [sflag:$0x3], $0x4000, $0x38;
	[tilespmem:$0x8400] =	vst v63  }
0x22: {  	_ =	swait.ge [sflag:s7], $0x4000  }
0x23: {  	[sflag:s7] =	ssyncset.done $0x0  }
0x24: {  	[sflag:s7] =	ssyncadd.s32 $0xFFFFC000  }
0x25: {  	[tilespmem:s10], [sflag:$0x2] =	stream.indirect.gather [hbm4b:s3+s8], $0x80, s14, s8, $0xb8;
	[tilespmem:$0x8400] =	vst v63  }
0x26: {  	_ =	swait.ge [sflag:s11], $0x4000  }
0x27: {  	[sflag:s11] =	ssyncset.done $0x0  }
0x28: {  	s26 =	sadd.s32 $0x1000, s20;
	[sflag:s11] =	ssyncadd.s32 $0xFFFFC000  }
0x29: {  	[hbm4b:s26+s2] =	stream.linear.scatter [tilespmem:s9], [sflag:$0x3], $0x4000, $0x38;
	[tilespmem:$0x8400] =	vst v63  }
0x2a: {  	_ =	swait.ge [sflag:s7], $0x4000  }
0x2b: {  	[sflag:s7] =	ssyncset.done $0x0  }
0x2c: {  	[sflag:s7] =	ssyncadd.s32 $0xFFFFC000  }
0x2d: {  	[tilespmem:s9], [sflag:$0x1] =	stream.indirect.gather [hbm4b:s3+s8], $0x80, s15, s8, $0xb8;
	[tilespmem:$0x8400] =	vst v63  }
0x2e: {  	_ =	swait.ge [sflag:s13], $0x4000  }
0x2f: {  	[sflag:s13] =	ssyncset.done $0x0  }
0x30: {  	s28 =	sadd.s32 $0x1800, s20;
	[sflag:s13] =	ssyncadd.s32 $0xFFFFC000  }
0x31: {  	[hbm4b:s28+s2] =	stream.linear.scatter [tilespmem:s10], [sflag:$0x3], $0x4000, $0x38;
	[tilespmem:$0x8400] =	vst v63  }
0x32: {  	_ =	swait.ge [sflag:s7], $0x4000  }
0x33: {  	[sflag:s7] =	ssyncset.done $0x0  }
0x34: {  	[sflag:s7] =	ssyncadd.s32 $0xFFFFC000  }
0x35: {  	[tilespmem:s10], [sflag:$0x2] =	stream.indirect.gather [hbm4b:s3+s8], $0x80, s16, s8, $0xb8;
	[tilespmem:$0x8400] =	vst v63  }
0x36: {  	_ =	swait.ge [sflag:s11], $0x4000  }
0x37: {  	[sflag:s11] =	ssyncset.done $0x0  }
0x38: {  	s29 =	sadd.s32 $0x2000, s20;
	[sflag:s11] =	ssyncadd.s32 $0xFFFFC000  }
0x39: {  	[hbm4b:s29+s2] =	stream.linear.scatter [tilespmem:s9], [sflag:$0x3], $0x4000, $0x38;
	[tilespmem:$0x8400] =	vst v63  }
0x3a: {  	_ =	swait.ge [sflag:s7], $0x4000  }
0x3b: {  	[sflag:s7] =	ssyncset.done $0x0  }
0x3c: {  	[sflag:s7] =	ssyncadd.s32 $0xFFFFC000  }
0x3d: {  	[tilespmem:s9], [sflag:$0x1] =	stream.indirect.gather [hbm4b:s3+s8], $0x80, s17, s8, $0xb8;
	[tilespmem:$0x8400] =	vst v63  }
0x3e: {  	_ =	swait.ge [sflag:s13], $0x4000  }
0x3f: {  	[sflag:s13] =	ssyncset.done $0x0  }
0x40: {  	s30 =	sadd.s32 $0x2800, s20;
	[sflag:s13] =	ssyncadd.s32 $0xFFFFC000  }
0x41: {  	[hbm4b:s30+s2] =	stream.linear.scatter [tilespmem:s10], [sflag:$0x3], $0x4000, $0x38;
	[tilespmem:$0x8400] =	vst v63  }
0x42: {  	_ =	swait.ge [sflag:s7], $0x4000  }
0x43: {  	[sflag:s7] =	ssyncset.done $0x0  }
0x44: {  	[sflag:s7] =	ssyncadd.s32 $0xFFFFC000  }
0x45: {  	[tilespmem:s10], [sflag:$0x2] =	stream.indirect.gather [hbm4b:s3+s8], $0x80, s18, s8, $0xb8;
	[tilespmem:$0x8400] =	vst v63  }
0x46: {  	_ =	swait.ge [sflag:s11], $0x4000  }
0x47: {  	[sflag:s11] =	ssyncset.done $0x0  }
0x48: {  	s31 =	sadd.s32 $0x3000, s20;
	[sflag:s11] =	ssyncadd.s32 $0xFFFFC000  }
0x49: {  	[hbm4b:s31+s2] =	stream.linear.scatter [tilespmem:s9], [sflag:$0x3], $0x4000, $0x38;
	[tilespmem:$0x8400] =	vst v63  }
0x4a: {  	_ =	swait.ge [sflag:s7], $0x4000  }
0x4b: {  	[sflag:s7] =	ssyncset.done $0x0  }
0x4c: {  	[sflag:s7] =	ssyncadd.s32 $0xFFFFC000  }
0x4d: {  	_ =	swait.ge [sflag:s13], $0x4000  }
0x4e: {  	[sflag:s13] =	ssyncset.done $0x0  }
0x4f: {  	s20 =	sadd.s32 $0x3800, s20;
	[sflag:s13] =	ssyncadd.s32 $0xFFFFC000  }
0x50: {  	[hbm4b:s20+s2] =	stream.linear.scatter [tilespmem:s10], [sflag:$0x3], $0x4000, $0x38;
	[tilespmem:$0x8400] =	vst v63  }
0x51: {  	_ =	swait.ge [sflag:s7], $0x4000  }
0x52: {  	s21 =	smov.u32 s5;
	s20 =	simm.s32 $0x4000;
	[sflag:s7] =	ssyncset.done $0x0  }
.LBB2_2:
0x53: {  	p0 =	sne.s32 s20, $0xC4000;
	[sflag:s7] =	ssyncadd.s32 $0xFFFFC000;
	s21 =	sadd.s32 $0x80, s21  }
0x54: {  	[tilespmem:s2], [sflag:$0x3] =	stream.linear.gather [hbm4b:s21+s2], $0x400, $0x38;
	[tilespmem:$0x8400] =	vst v63  }
0x55: {  	s22 =	smov.u32 s20;
	s20 =	sadd.s32 $0x4000, s20;
	_ =	swait.ge [sflag:s7], $0x400  }
0x56: {  	[sflag:s7] =	ssyncset.done $0x0  }
0x57: {  	[sflag:s7] =	ssyncadd.s32 $0xFFFFFC00  }
0x58: {  	[tilespmem:s9], [sflag:$0x1] =	stream.indirect.gather [hbm4b:s3+s8], $0x80, s2, s8, $0xb8;
	[tilespmem:$0x8400] =	vst v63  }
0x59: {  	_ = 	snop  }
0x5a: {  	[tilespmem:s10], [sflag:$0x2] =	stream.indirect.gather [hbm4b:s3+s8], $0x80, s8, s8, $0xb8;
	[tilespmem:$0x8400] =	vst v63  }
0x5b: {  	_ =	swait.ge [sflag:s11], $0x4000  }
0x5c: {  	[sflag:s11] =	ssyncset.done $0x0  }
0x5d: {  	s22 =	sadd.s32 s22, s6;
	[sflag:s11] =	ssyncadd.s32 $0xFFFFC000  }
0x5e: {  	[hbm4b:s22+s2] =	stream.linear.scatter [tilespmem:s9], [sflag:$0x3], $0x4000, $0x38;
	[tilespmem:$0x8400] =	vst v63  }
0x5f: {  	_ =	swait.ge [sflag:s7], $0x4000  }
0x60: {  	[sflag:s7] =	ssyncset.done $0x0  }
0x61: {  	[sflag:s7] =	ssyncadd.s32 $0xFFFFC000  }
0x62: {  	[tilespmem:s9], [sflag:$0x1] =	stream.indirect.gather [hbm4b:s3+s8], $0x80, s12, s8, $0xb8;
	[tilespmem:$0x8400] =	vst v63  }
0x63: {  	_ =	swait.ge [sflag:s13], $0x4000  }
0x64: {  	[sflag:s13] =	ssyncset.done $0x0  }
0x65: {  	s23 =	sadd.s32 $0x800, s22;
	[sflag:s13] =	ssyncadd.s32 $0xFFFFC000  }
0x66: {  	[hbm4b:s23+s2] =	stream.linear.scatter [tilespmem:s10], [sflag:$0x3], $0x4000, $0x38;
	[tilespmem:$0x8400] =	vst v63  }
0x67: {  	_ =	swait.ge [sflag:s7], $0x4000  }
0x68: {  	[sflag:s7] =	ssyncset.done $0x0  }
0x69: {  	[sflag:s7] =	ssyncadd.s32 $0xFFFFC000  }
0x6a: {  	[tilespmem:s10], [sflag:$0x2] =	stream.indirect.gather [hbm4b:s3+s8], $0x80, s14, s8, $0xb8;
	[tilespmem:$0x8400] =	vst v63  }
0x6b: {  	_ =	swait.ge [sflag:s11], $0x4000  }
0x6c: {  	[sflag:s11] =	ssyncset.done $0x0  }
0x6d: {  	s23 =	sadd.s32 $0x1000, s22;
	[sflag:s11] =	ssyncadd.s32 $0xFFFFC000  }
0x6e: {  	[hbm4b:s23+s2] =	stream.linear.scatter [tilespmem:s9], [sflag:$0x3], $0x4000, $0x38;
	[tilespmem:$0x8400] =	vst v63  }
0x6f: {  	_ =	swait.ge [sflag:s7], $0x4000  }
0x70: {  	[sflag:s7] =	ssyncset.done $0x0  }
0x71: {  	[sflag:s7] =	ssyncadd.s32 $0xFFFFC000  }
0x72: {  	[tilespmem:s9], [sflag:$0x1] =	stream.indirect.gather [hbm4b:s3+s8], $0x80, s15, s8, $0xb8;
	[tilespmem:$0x8400] =	vst v63  }
0x73: {  	_ =	swait.ge [sflag:s13], $0x4000  }
0x74: {  	[sflag:s13] =	ssyncset.done $0x0  }
0x75: {  	s23 =	sadd.s32 $0x1800, s22;
	[sflag:s13] =	ssyncadd.s32 $0xFFFFC000  }
0x76: {  	[hbm4b:s23+s2] =	stream.linear.scatter [tilespmem:s10], [sflag:$0x3], $0x4000, $0x38;
	[tilespmem:$0x8400] =	vst v63  }
0x77: {  	_ =	swait.ge [sflag:s7], $0x4000  }
0x78: {  	[sflag:s7] =	ssyncset.done $0x0  }
0x79: {  	[sflag:s7] =	ssyncadd.s32 $0xFFFFC000  }
0x7a: {  	[tilespmem:s10], [sflag:$0x2] =	stream.indirect.gather [hbm4b:s3+s8], $0x80, s16, s8, $0xb8;
	[tilespmem:$0x8400] =	vst v63  }
0x7b: {  	_ =	swait.ge [sflag:s11], $0x4000  }
0x7c: {  	[sflag:s11] =	ssyncset.done $0x0  }
0x7d: {  	s23 =	sadd.s32 $0x2000, s22;
	[sflag:s11] =	ssyncadd.s32 $0xFFFFC000  }
0x7e: {  	[hbm4b:s23+s2] =	stream.linear.scatter [tilespmem:s9], [sflag:$0x3], $0x4000, $0x38;
	[tilespmem:$0x8400] =	vst v63  }
0x7f: {  	_ =	swait.ge [sflag:s7], $0x4000  }
0x80: {  	[sflag:s7] =	ssyncset.done $0x0  }
0x81: {  	[sflag:s7] =	ssyncadd.s32 $0xFFFFC000  }
0x82: {  	[tilespmem:s9], [sflag:$0x1] =	stream.indirect.gather [hbm4b:s3+s8], $0x80, s17, s8, $0xb8;
	[tilespmem:$0x8400] =	vst v63  }
0x83: {  	_ =	swait.ge [sflag:s13], $0x4000  }
0x84: {  	[sflag:s13] =	ssyncset.done $0x0  }
0x85: {  	s23 =	sadd.s32 $0x2800, s22;
	[sflag:s13] =	ssyncadd.s32 $0xFFFFC000  }
0x86: {  	[hbm4b:s23+s2] =	stream.linear.scatter [tilespmem:s10], [sflag:$0x3], $0x4000, $0x38;
	[tilespmem:$0x8400] =	vst v63  }
0x87: {  	_ =	swait.ge [sflag:s7], $0x4000  }
0x88: {  	[sflag:s7] =	ssyncset.done $0x0  }
0x89: {  	[sflag:s7] =	ssyncadd.s32 $0xFFFFC000  }
0x8a: {  	[tilespmem:s10], [sflag:$0x2] =	stream.indirect.gather [hbm4b:s3+s8], $0x80, s18, s8, $0xb8;
	[tilespmem:$0x8400] =	vst v63  }
0x8b: {  	_ =	swait.ge [sflag:s11], $0x4000  }
0x8c: {  	[sflag:s11] =	ssyncset.done $0x0  }
0x8d: {  	s23 =	sadd.s32 $0x3000, s22;
	[sflag:s11] =	ssyncadd.s32 $0xFFFFC000  }
0x8e: {  	[hbm4b:s23+s2] =	stream.linear.scatter [tilespmem:s9], [sflag:$0x3], $0x4000, $0x38;
	[tilespmem:$0x8400] =	vst v63  }
0x8f: {  	_ =	swait.ge [sflag:s7], $0x4000  }
0x90: {  	[sflag:s7] =	ssyncset.done $0x0  }
0x91: {  	[sflag:s7] =	ssyncadd.s32 $0xFFFFC000  }
0x92: {  	_ =	swait.ge [sflag:s13], $0x4000  }
.Ltmp0:
0x93: {  	[sflag:s13] =	ssyncset.done $0x0;
	(pc) =	sbr.rel @p0 .LBB2_2-.Ltmp0, $4  }
0x94: {  	s22 =	sadd.s32 $0x3800, s22;
	[sflag:s13] =	ssyncadd.s32 $0xFFFFC000  }
0x95: {  	[hbm4b:s22+s2] =	stream.linear.scatter [tilespmem:s10], [sflag:$0x3], $0x4000, $0x38;
	[tilespmem:$0x8400] =	vst v63  }
0x96: {  	_ =	swait.ge [sflag:s7], $0x4000  }
0x97: {  	[sflag:s7] =	ssyncset.done $0x0  }
0x98: {  	s19 =	sadd.s32 $0x1, s19  }
0x99: {  	p0 =	sne.s32 s19, s4  }
.Ltmp1:
0x9a: {  	_ = 	snop;
	(pc) =	sbr.rel @p0 .LBB2_1-.Ltmp1, $2  }
0x9b: {  	_ =	sdelay $0x2  }
0x9c: {  	[sflag:s7] =	ssyncadd.s32 $0xFFFFC000  }
0x9d: {  	_ =	sfence.sel $0x180000  }
0x9e: {  	[bflag:$0x0] =	sbarrier.arrive $0xFFFF  }
0x9f: {  	p0 =	sne.s32 s1, $0x0;
	_ =	strace $0x90000047  }
0xa0: {  	s0 =	sadd.s32 @!p0 $0x100000, s0;
	[bflag:$0x2] =	sbarrier.arrive $0xFFFF  }
0xa1: {  	[sflag:s0] =	ssyncadd.tile.s32 @!p0 $0x1;
	_ =	shalt  }
.Lfunc_end2:
_tile_overlayer_lowered:
.L_overlay_start_2:
0xa2: {  	(tag) =	ssettag $0x2  }
0xa3: {  	s0 =	rddreg [dreg:$0x0];
	s2 =	stileid.u32  }
0xa4: {  	s1 =	rddreg [dreg:$0x1];
	p0 =	sne.s32 s2, $0x0  }
0xa5: {  	s3 =	rddreg [dreg:$0x2];
	[bflag:$0x3] =	sbarrier.arrive $0xFFFF;
	s2 =	simm.s32 @!p0 $0x1C03  }
0xa6: {  	[timem:s3], [sflag:s2] =	dma.local @!p0 [hbm:s0], s1  }
0xa7: {  	s0 =	simm.s32 @!p0 $0x3  }
0xa8: {  	_ =	swait.ge @!p0 [sflag:s0], s1  }
0xa9: {  	s1 =	ssub.s32 @!p0 $0x0, s1;
	[sflag:s0] =	ssyncset.done @!p0 $0x0  }
0xaa: {  	[sflag:s0] =	ssyncadd.s32 @!p0 s1  }
0xab: {  	[bflag:$0x3] =	sbarrier.arrive $0xFFFF  }
0xac: {  	_ =	shalt  }

// kernel: sparse-core-data-format-call.cloned.1.call-start
scs
called_computation_lowered:
.L_overlay_start_0:
0x0: {  	s2 =	sld [smem:$0x3FD9]  }
0x1: {  	s3 =	sld [smem:$0x3FFE];
	_ =	sdelay $0x1  }
0x2: {  	s1 =	srdreg.scid  }
0x3: {  	s0 =	sand.u32 $0x1, s1  }
0x4: {  	s18 =	sshll.u32 s0, $0xA;
	s2 =	sadd.s32 s3, s2  }
0x5: {  	s2 =	sadd.s32 s2, s18  }
0x6: {  	[smem:$0x3FC3] =	sst s2  }
0x7: {  	_ = 	snop  }
0x8: {  	s2 =	sld [smem:$0x3FD0];
	(tm) =	ssettm $0x1  }
0x9: {  	s19 =	sld [smem:$0x3FFB];
	_ =	sdelay $0x3  }
0xa: {  	_ =	strace s19  }
0xb: {  	s3 =	sld [smem:$0x3FFC];
	_ =	sdelay $0x3  }
0xc: {  	_ =	strace s3  }
0xd: {  	s3 =	sld [smem:$0x3FFD];
	_ =	sdelay $0x3  }
0xe: {  	_ =	strace s3  }
0xf: {  	_ =	strace $0x8FFFFFFF  }
0x10: {  	s20 =	sld [smem:$0x3FDB];
	_ =	sdelay $0x1  }
0x11: {  	s4 =	simm.s32 $_scs_section_size  }
0x12: {  	s5 =	simm.s32 $_size__tile_overlayer_lowered;
	s6 =	simm.s32 $_tile_overlayer_lowered  }
0x13: {  	s23 =	simm.s32 $0x1BFF;
	s22 =	sshll.u32 s6, $0x1;
	s3 =	sadd.s32 s4, s20  }
0x14: {  	s7 =	simm.s32 $0x0;
	s21 =	sshll.u32 s5, $0x1;
	s5 =	sadd.s32 s22, s3  }
0x15: {  	[timem:s7], [sflag:s23] =	dma.local [hbm:s5], s21  }
0x16: {  	_ =	swait.ge [sflag:s23], s21  }
0x17: {  	s4 =	ssub.s32 $0x0, s21;
	[sflag:s23] =	ssyncset.done $0x0  }
0x18: {  	[sflag:s23] =	ssyncadd.s32 s4;
	_ =	sdelay $0x1  }
0x19: {  	s24 =	simm.s32 $0x1B8B  }
0x1a: {  	_ =	swait.ge [sflag:s24], $0x1  }
0x1b: {  	[sflag:s24] =	ssyncset.done $0x0  }
0x1c: {  	s26 =	simm.s32 $0x1B8E;
	s25 =	sld [smem:$0x3FFE];
	[sflag:s24] =	ssyncadd.s32 $0xFFFFFFFF  }
0x1d: {  	s27 =	simm.s32 $execute0_lowered;
	[smem:$0x3FD2] =	sst s26  }
0x1e: {  	s5 =	sshll.u32 s27, $0x1;
	_ =	strace $0x80000049;
	[dreg:$0x1] =	wrdreg $0xFFFFFFFF  }
0x1f: {  	s28 =	simm.s32 $_size_execute0_lowered;
	s3 =	sadd.s32 s3, s5;
	[dreg:$0x0] =	wrdreg $0x0  }
0x20: {  	s5 =	sshll.u32 s28, $0x1;
	[dreg:$0x2] =	wrdreg s3  }
0x21: {  	[dreg:$0x3] =	wrdreg s5  }
0x22: {  	[dreg:$0x4] =	wrdreg $0xC0  }
0x23: {  	_ =	task [dreg:s7], $0x5FFFF  }
0x24: {  	[dreg:$0x1] =	wrdreg $0xFFFFFFFF  }
0x25: {  	[dreg:$0x0] =	wrdreg $0x60  }
0x26: {  	[dreg:$0x2] =	wrdreg s25  }
0x27: {  	[dreg:$0x3] =	wrdreg s2  }
0x28: {  	[dreg:$0x4] =	wrdreg $0x9  }
0x29: {  	_ =	task.clear_ibuf [dreg:s7], $0x5FFFF;
	_ =	strace $0x90000049  }
0x2a: {  	s29 =	simm.s32 $0x9;
	_ =	strace $0x8000004B  }
0x2b: {  	_ =	swait.ge [sflag:s29], $0x1  }
0x2c: {  	[sflag:s29] =	ssyncadd.s32 $0xFFFFFFFF  }
0x2d: {  	_ =	strace $0x9000004B  }
0x2e: {  	_ =	sfence  }
0x2f: {  	s30 =	sld [smem:$0x0];
	_ =	sdelay $0x2  }
0x30: {  	s31 =	sshll.u32 s1, $0xD;
	s1 =	sshrl.u32 s1, $0x2  }
0x31: {  	s3 =	sand.u32 $0x4000, s31;
	s1 =	sadd.s32 s1, s30  }
0x32: {  	s0 =	sor.u32 s3, s0;
	s1 =	sshll.u32 s1, $0x11  }
0x33: {  	s0 =	sor.u32 s1, s0  }
0x34: {  	s0 =	sadd.s32 $0x8F2B, s0  }
0x35: {  	[sflag:s0] =	ssyncadd.remote.s32 $0x1  }
0x36: {  	_ =	sfence.sel $0xFFFF  }
0x37: {  	[dreg:$0x0] =	wrdreg $0xFFFFFFFF;
	(pc) =	sbr.abs _section_cstart, $3  }
0x38: {  	[dreg:$0x1] =	wrdreg $0xFFFFFFFF  }
0x39: {  	_ =	task.clear_ibuf [dreg:s7], $0x2FFFF;
	_ =	strace $0x9FFFFFFF  }
0x3a: {  	(tm) =	ssettm $0x7FFFFFFF  }
0x3b: {  	_ =	shalt  }
tec
execute0_lowered:
.L_overlay_start_1:
0x0: {  	(tag) =	ssettag $0x1  }
0x1: {  	s0 =	srdreg.scid  }
0x2: {  	s1 =	sshll.u32 s0, $0x4  }
0x3: {  	s0 =	stileid.u32;
	s1 =	sand.u32 $0x10, s1  }
0x4: {  	s1 =	sor.u32 s0, s1  }
0x5: {  	s6 =	rddreg [dreg:$0x0];
	s4 =	simm.s32 $0x1;
	s2 =	sshll.u32 s1, $0x7  }
0x6: {  	s7 =	simm.s32 $0x2;
	s12 =	simm.s32 $0x0;
	s1 =	ssub.s32 $0x4000, s2  }
0x7: {  	s8 =	simm.s32 $0x20000;
	s13 =	simm.s32 $0x0;
	s3 =	sand.u32 $0xF80, s1  }
0x8: {  	s9 =	simm.s32 $0x0;
	s5 =	sshrl.u32 s1, $0xC;
	p0 =	sne.s32 s3, $0x0  }
.Ltmp0:
0x9: {  	s1 =	rddreg [dreg:$0x2];
	s4 =	simm.s32 @!p0 $0x0;
	(pc) =	sbr.rel .LBB1_1-.Ltmp0, $4  }
0xa: {  	s11 =	simm.s32 $0x0;
	s3 =	rddreg [dreg:$0x1];
	s5 =	sadd.s32 s4, s5  }
0xb: {  	_ =	strace $0x8000004A;
	s4 =	simm.s32 $0x1;
	s5 =	smul.u32 $0xC8, s5  }
0xc: {  	s6 =	sadd.s32 $0x1000, s6;
	s10 =	smov.u32 s2;
	[sflag:s4] =	ssyncpa.u1 $0x0  }
0xd: {  	p0 =	por $0x0, $0x0;
	[sflag:s7] =	ssyncpa.u1 $0x0;
	s7 =	sor.u32 $0x1, s5  }
.LBB1_4:
0xe: {  	s16 =	sshll.u32 s13, $0x3;
	s17 =	sand.u32 $0x78, s13  }
0xf: {  	s30 =	sand.u32 $0x1F800, s13;
	s12 =	sshll.u32 s12, $0x11;
	s16 =	sand.u32 $0x3C00, s16  }
0x10: {  	[tilespmem:s15+$0x810 ss:$0x81] =	vst.msk $0xffff, v2;
	s31 =	sand.u32 $0x7, s13;
	s16 =	sor.u32 s17, s16;
	s17 =	sadd.s32 s3, s30  }
0x11: {  	[tilespmem:s15+$0x1020 ss:$0x81] =	vst.msk $0xffff, v0;
	s13 =	sshll.u32 s31, $0x12;
	s12 =	sadd.s32 s12, s17;
	s16 =	sshrl.u32 s16, $0x3  }
0x12: {  	[tilespmem:s15+$0x0 ss:$0x81] =	vst.msk $0xffff, v1;
	s13 =	sor.u32 $0x400, s13;
	s12 =	sadd.s32 s16, s12  }
0x13: {  	[hbm4b:s12+s13] =	stream.strided.scatter [tilespmem:s14], [sflag:$0x2], $0x2000, s8, s13, $0x20;
	[tilespmem:$0x8080] =	vst v63  }
.LBB1_5:
0x14: {  	s14 =	sadd.s32 $0x1, s9  }
0x15: {  	s12 =	sadd.s32 $0x1000, s10;
	s16 =	smov.u32 s10;
	p2 =	sgt.s32 s14, $0xC7  }
0x16: {  	s16 =	smov.u32 @p2 s12  }
0x17: {  	s14 =	simm.s32 @p2 $0x0;
	p2 =	sgt.s32 s16, $0x3FFF  }
0x18: {  	s16 =	smov.u32 @p2 s2;
	p2 =	sne.s32 s11, s7  }
.Ltmp1:
0x19: {  	p1 =	slt.u32 s11, $0x2;
	(pc) =	sbr.rel @!p2 .LBB1_6-.Ltmp1, $4  }
0x1a: {  	s15 =	simm.s32 @!p1 $0x2  }
0x1b: {  	s13 =	smov.u32 s10;
	p0 =	por !p0, !p0;
	_ =	swait.ge @!p1 [sflag:s15], $0x2000  }
0x1c: {  	s12 =	smov.u32 s9;
	[sflag:s15] =	ssyncset.done @!p1 $0x0;
	s9 =	smov.u32 s14  }
0x1d: {  	s11 =	sadd.s32 $0x1, s11;
	[sflag:s15] =	ssyncadd.s32 @!p1 $0xFFFFE000;
	s10 =	smov.u32 s16  }
.LBB1_1:
0x1e: {  	p1 =	sge.u32 s11, s5  }
0x1f: {  	s14 =	sand.u32 @!p1 $0x1FFFFFF, s9  }
0x20: {  	s15 =	smulhi.u32 @!p1 $0x147AE15, s14;
	_ =	sdelay $0x1  }
0x21: {  	s15 =	smul.u32 @!p1 $0xC8, s15  }
0x22: {  	s16 =	sxor.u32 @!p1 $0xFFFFFFFF, s11;
	s17 =	smul.u32 @!p1 $0xC80, s10  }
0x23: {  	s31 =	sadd.s32 $0xFFFFFFFF, s11;
	s16 =	sshll.u32 @!p1 s16, $0xD;
	s14 =	ssub.s32 @!p1 s14, s15  }
0x24: {  	s15 =	sand.u32 @!p1 $0x2000, s16;
	s16 =	sadd.s32 @!p1 s6, s17;
	s14 =	sshll.u32 @!p1 s14, $0x4  }
0x25: {  	s17 =	simm.s32 @!p1 $0x6400;
	s14 =	sadd.s32 @!p1 s14, s16;
	s16 =	simm.s32 @!p1 $0x40  }
0x26: {  	[tilespmem:s15], [sflag:$0x1] =	stream.strided.gather @!p1 [hbm4b:s14+s16], $0x2000, s17, s16, $0x38;
	[tilespmem:$0x8080] =	vst v63  }
0x27: {  	p1 =	sge.u32 s31, s5  }
.Ltmp2:
0x28: {  	_ = 	snop;
	(pc) =	sbr.rel @p1 .LBB1_5-.Ltmp2, $1  }
0x29: {  	_ =	sdelay $0x3  }
0x2a: {  	s14 =	simm.s32 $0x1  }
0x2b: {  	_ =	swait.ge [sflag:s4], $0x2000;
	s14 =	simm.s32 @!p0 $0x0  }
0x2c: {  	[sflag:s4] =	ssyncset.done $0x0;
	s15 =	sshll.u32 s14, $0xD  }
0x2d: {  	[sflag:s4] =	ssyncadd.s32 $0xFFFFE000;
	s18 =	sor.u32 $0x20, s15  }
0x2e: {  	s14 =	smul.u32 $0x8100, s14;
	v3 =	vld [tilespmem:s18+$0x10]  }
0x2f: {  	s30 =	sand.u32 $0x1, s11;
	v2 =	vld [tilespmem:s18+$0xFFFFFFF0]  }
0x30: {  	s15 =	smul.u32 $0x8100, s30;
	s14 =	sshrl.u32 s14, $0x2;
	v0 =	vld [tilespmem:s18+$0x0]  }
0x31: {  	v1 =	vld [tilespmem:s18+$0xFFFFFFE0];
	s16 =	sor.u32 $0x4000, s14  }
0x32: {  	s31 =	sshrl.u32 s15, $0x2;
	s15 =	sadd.s32 $0x0, s16  }
0x33: {  	s17 =	simm.s32 $0x4;
	s18 =	sadd.s32 $0x40, s18;
	s14 =	sor.u32 $0x4000, s31;
	[tilespmem:s15+$0x1830 ss:$0x81] =	vst.msk $0xffff, v3  }
.LBB1_3:
0x34: {  	v3 =	vld [tilespmem:s18+$0x10];
	p1 =	sne.s32 s17, $0x1FC;
	[tilespmem:s15+$0x810 ss:$0x81] =	vst.msk $0xffff, v2;
	s19 =	smov.u32 s17;
	s17 =	sadd.s32 $0x4, s17  }
.Ltmp3:
0x35: {  	v2 =	vld [tilespmem:s18+$0xFFFFFFF0];
	[tilespmem:s15+$0x1020 ss:$0x81] =	vst.msk $0xffff, v0;
	(pc) =	sbr.rel @p1 .LBB1_3-.Ltmp3, $4  }
0x36: {  	v0 =	vld [tilespmem:s18+$0x0];
	[tilespmem:s15+$0x0 ss:$0x81] =	vst.msk $0xffff, v1  }
0x37: {  	s15 =	sshra.s32 s19, $0x2;
	v1 =	vld [tilespmem:s18+$0xFFFFFFE0]  }
0x38: {  	s15 =	sadd.s32 s15, s16  }
0x39: {  	s18 =	sadd.s32 $0x40, s18;
	[tilespmem:s15+$0x1830 ss:$0x81] =	vst.msk $0xffff, v3  }
.Ltmp4:
0x3a: {  	_ = 	snop;
	(pc) =	sbr.rel .LBB1_4-.Ltmp4, $1  }
0x3b: {  	_ =	sdelay $0x3  }
.LBB1_6:
0x3c: {  	_ =	sfence.sel $0x180000  }
0x3d: {  	s2 =	simm.s32 $0x1;
	[bflag:$0x0] =	sbarrier.arrive $0xFFFF  }
0x3e: {  	s31 =	simm.s32 $0x2;
	[sflag:s2] =	ssyncpa.u1 $0x1  }
0x3f: {  	[sflag:s31] =	ssyncpa.u1 $0x1  }
0x40: {  	p0 =	sne.s32 s0, $0x0;
	_ =	strace $0x9000004A  }
0x41: {  	s0 =	sadd.s32 @!p0 $0x100000, s1;
	[bflag:$0x2] =	sbarrier.arrive $0xFFFF  }
0x42: {  	[sflag:s0] =	ssyncadd.tile.s32 @!p0 $0x1;
	_ =	shalt  }
.Lfunc_end1:
_tile_overlayer_lowered:
.L_overlay_start_2:
0x43: {  	(tag) =	ssettag $0x2  }
0x44: {  	s0 =	rddreg [dreg:$0x0];
	s2 =	stileid.u32  }
0x45: {  	s1 =	rddreg [dreg:$0x1];
	p0 =	sne.s32 s2, $0x0  }
0x46: {  	s3 =	rddreg [dreg:$0x2];
	[bflag:$0x3] =	sbarrier.arrive $0xFFFF;
	s2 =	simm.s32 @!p0 $0x1C01  }
0x47: {  	[timem:s3], [sflag:s2] =	dma.local @!p0 [hbm:s0], s1  }
0x48: {  	s0 =	simm.s32 @!p0 $0x1  }
0x49: {  	_ =	swait.ge @!p0 [sflag:s0], s1  }
0x4a: {  	s1 =	ssub.s32 @!p0 $0x0, s1;
	[sflag:s0] =	ssyncset.done @!p0 $0x0  }
0x4b: {  	[sflag:s0] =	ssyncadd.s32 @!p0 s1  }
0x4c: {  	[bflag:$0x3] =	sbarrier.arrive $0xFFFF  }
0x4d: {  	_ =	shalt  }

</sc_bundles>
